<compile_context>
chip_gen: v7x
topology: tpu7x:2x2x1
jax: 0.10.2.dev20260603
libtpu: 0.0.44.dev20260713+nightly
codegen_flags: <defaults>
</compile_context>

<pallas_src>
import functools

import jax
import jax.numpy as jnp
from jax import lax
from jax.experimental import pallas as pl
from jax.experimental.pallas import tpu as pltpu
from jax.experimental.pallas import tpu_sc as plsc

E = 16
K = 2
D = 1024
O = 1024
T = 4096
A = 8192
M = 512
NT = A // M + E
A_PAD = NT * M
TB = 512
NB = T // TB
BALANCE_W = 0.01


def _route_body(lg_ref, i12_ref, s12_ref, cnt_ref, imp_ref, ld_ref):
    L = lg_ref[...]
    ioe = jax.lax.broadcasted_iota(jnp.int32, (TB, E), 1)
    m1 = jnp.max(L, axis=1, keepdims=True)
    i1 = jnp.min(jnp.where(L == m1, ioe, E), axis=1, keepdims=True)
    Lm = jnp.where(ioe == i1, -jnp.inf, L)
    m2 = jnp.max(Lm, axis=1, keepdims=True)
    i2 = jnp.min(jnp.where(Lm == m2, ioe, E), axis=1, keepdims=True)
    z = jnp.exp(m2 - m1)
    den = 1.0 + z
    s1 = 1.0 / den
    s2 = z / den
    i12_ref[...] = jnp.concatenate([i1, i2], axis=1)
    s12_ref[...] = jnp.concatenate([s1, s2], axis=1)
    h0 = (ioe == i1).astype(jnp.float32)
    h1 = (ioe == i2).astype(jnp.float32)
    cnt_ref[...] = (h0 + h1).sum(axis=0).reshape(1, 1, E)
    imp_ref[...] = (h0 * s1 + h1 * s2).sum(axis=0).reshape(1, 1, E)
    ld_ref[...] = (h0 * (s1 > 0).astype(jnp.float32)
                   + h1 * (s2 > 0).astype(jnp.float32)).sum(axis=0
                   ).reshape(1, 1, E)


def _route(logits):
    return pl.pallas_call(
        _route_body,
        grid=(NB,),
        in_specs=[pl.BlockSpec((TB, E), lambda b: (b, 0))],
        out_specs=[
            pl.BlockSpec((TB, K), lambda b: (b, 0)),
            pl.BlockSpec((TB, K), lambda b: (b, 0)),
            pl.BlockSpec((1, 1, E), lambda b: (b, 0, 0)),
            pl.BlockSpec((1, 1, E), lambda b: (b, 0, 0)),
            pl.BlockSpec((1, 1, E), lambda b: (b, 0, 0)),
        ],
        out_shape=[
            jax.ShapeDtypeStruct((T, K), jnp.int32),
            jax.ShapeDtypeStruct((T, K), jnp.float32),
            jax.ShapeDtypeStruct((NB, 1, E), jnp.float32),
            jax.ShapeDtypeStruct((NB, 1, E), jnp.float32),
            jax.ShapeDtypeStruct((NB, 1, E), jnp.float32),
        ],
    )(logits)


def _pos_body(i12_ref, carry_ref, pos_ref):
    i1 = i12_ref[:, 0:1]
    i2 = i12_ref[:, 1:2]
    ioe = jax.lax.broadcasted_iota(jnp.int32, (TB, E), 1)
    h0 = (ioe == i1).astype(jnp.float32)
    h1 = (ioe == i2).astype(jnp.float32)
    hs = (h0 + h1).astype(jnp.bfloat16)
    ior = jax.lax.broadcasted_iota(jnp.int32, (TB, TB), 0)
    ioc = jax.lax.broadcasted_iota(jnp.int32, (TB, TB), 1)
    tri = (ioc < ior).astype(jnp.bfloat16)
    C = jnp.dot(tri, hs, preferred_element_type=jnp.float32)
    Cc = C + carry_ref[0]
    pos0 = jnp.sum(Cc * h0, axis=1, keepdims=True)
    pos1 = jnp.sum(Cc * h1, axis=1, keepdims=True)
    pos_ref[...] = jnp.concatenate([pos0, pos1], axis=1).astype(jnp.int32)


def _positions(i12, carry):
    return pl.pallas_call(
        _pos_body,
        grid=(NB,),
        in_specs=[
            pl.BlockSpec((TB, K), lambda b: (b, 0)),
            pl.BlockSpec((1, 1, E), lambda b: (b, 0, 0)),
        ],
        out_specs=pl.BlockSpec((TB, K), lambda b: (b, 0)),
        out_shape=jax.ShapeDtypeStruct((T, K), jnp.int32),
    )(i12, carry)


CTB = 512
NCB = T // CTB


def _comb_body(rt0_ref, rt1_ref, s12_ref, i12_ref, b_ref, y_ref):
    u0 = rt0_ref[0]
    u1 = rt1_ref[0]
    s0 = s12_ref[:, 0:1]
    s1 = s12_ref[:, 1:2]

    def lo(u):
        return jax.lax.bitcast_convert_type(u << 16, jnp.float32)

    def hi(u):
        return jax.lax.bitcast_convert_type(u & jnp.uint32(0xFFFF0000),
                                            jnp.float32)

    y_lo = s0 * lo(u0) + s1 * lo(u1)
    y_hi = s0 * hi(u0) + s1 * hi(u1)
    ioe = jax.lax.broadcasted_iota(jnp.int32, (CTB, E), 1)
    ohs = ((ioe == i12_ref[:, 0:1]).astype(jnp.float32) * s0
           + (ioe == i12_ref[:, 1:2]).astype(jnp.float32) * s1)
    bias = jnp.dot(ohs.astype(jnp.bfloat16), b_ref[...].astype(jnp.bfloat16),
                   preferred_element_type=jnp.float32)
    y_ref[...] = jnp.concatenate([y_lo, y_hi], axis=1) + bias


def _combine(rt, s12, i12, expert_b):
    return pl.pallas_call(
        _comb_body,
        grid=(NCB,),
        in_specs=[
            pl.BlockSpec((1, CTB, O // 2), lambda b: (0, b, 0)),
            pl.BlockSpec((1, CTB, O // 2), lambda b: (1, b, 0)),
            pl.BlockSpec((CTB, K), lambda b: (b, 0)),
            pl.BlockSpec((CTB, K), lambda b: (b, 0)),
            pl.BlockSpec((E, O), lambda b: (0, 0)),
        ],
        out_specs=pl.BlockSpec((CTB, O), lambda b: (b, 0)),
        out_shape=jax.ShapeDtypeStruct((T, O), jnp.float32),
    )(rt, rt, s12, i12, expert_b)


def _rne_bf16_bits(u):
    return u + 0x7FFF + ((u >> 16) & 1)


def _pack_body(x_ref, xp_ref):
    u_lo = jax.lax.bitcast_convert_type(x_ref[:, :D // 2], jnp.uint32)
    u_hi = jax.lax.bitcast_convert_type(x_ref[:, D // 2:], jnp.uint32)
    xp_ref[...] = ((_rne_bf16_bits(u_lo) >> 16)
                   | (_rne_bf16_bits(u_hi) & jnp.uint32(0xFFFF0000)))


def _pack_x(xf):
    return pl.pallas_call(
        _pack_body,
        grid=(NB,),
        in_specs=[pl.BlockSpec((TB, D), lambda b: (b, 0))],
        out_specs=pl.BlockSpec((TB, D // 2), lambda b: (b, 0)),
        out_shape=jax.ShapeDtypeStruct((T, D // 2), jnp.uint32),
    )(xf)


def _unpack_bf16_pair(u):
    x_lo = jax.lax.bitcast_convert_type(u << 16, jnp.float32)
    x_hi = jax.lax.bitcast_convert_type(u & jnp.uint32(0xFFFF0000),
                                        jnp.float32)
    return jnp.concatenate([x_lo, x_hi], axis=1).astype(jnp.bfloat16)


def _gmm_body(eid, nrt, x_ref, w_ref, o_ref):
    t = pl.program_id(0)

    @pl.when(t < nrt[0])
    def _():
        xb = _unpack_bf16_pair(x_ref[...])
        wb = w_ref[0].astype(jnp.bfloat16)
        dn = (((1,), (1,)), ((), ()))
        lo = jax.lax.dot_general(xb, wb[:O // 2], dimension_numbers=dn,
                                 preferred_element_type=jnp.float32)
        hi = jax.lax.dot_general(xb, wb[O // 2:], dimension_numbers=dn,
                                 preferred_element_type=jnp.float32)
        ulo = jax.lax.bitcast_convert_type(lo, jnp.uint32)
        uhi = jax.lax.bitcast_convert_type(hi, jnp.uint32)
        o_ref[...] = ((_rne_bf16_bits(ulo) >> 16)
                      | (_rne_bf16_bits(uhi) & jnp.uint32(0xFFFF0000)))


def _grouped_matmul(xs, w, eid, nrt):
    grid_spec = pltpu.PrefetchScalarGridSpec(
        num_scalar_prefetch=2,
        grid=(NT,),
        in_specs=[
            pl.BlockSpec(
                (M, D // 2),
                lambda t, eid, nrt: (jnp.minimum(t, nrt[0] - 1), 0)),
            pl.BlockSpec(
                (1, O, D),
                lambda t, eid, nrt: (eid[jnp.minimum(t, nrt[0] - 1)], 0, 0)),
        ],
        out_specs=pl.BlockSpec(
            (M, O // 2), lambda t, eid, nrt: (jnp.minimum(t, nrt[0] - 1), 0)),
    )
    return pl.pallas_call(
        _gmm_body,
        grid_spec=grid_spec,
        out_shape=jax.ShapeDtypeStruct((A_PAD, O // 2), jnp.uint32),
    )(eid, nrt, xs, w)


NC = 2
NS = 16
NW = NC * NS
TPW = T // NW
CH = 128
NCH = TPW // CH


@functools.lru_cache(maxsize=None)
def _sc_kernels():
    mesh = plsc.VectorSubcoreMesh(core_axis_name="c", subcore_axis_name="s")

    @functools.partial(
        pl.kernel, mesh=mesh,
        out_type=jax.ShapeDtypeStruct((A_PAD, D // 2), jnp.uint32),
        scratch_types=[
            pltpu.VMEM((CH, D // 2), jnp.uint32),
            pltpu.VMEM((CH,), jnp.int32),
            pltpu.VMEM((CH,), jnp.int32),
            pltpu.SemaphoreType.DMA,
        ],
    )
    def sc_dispatch(xf_hbm, p0_hbm, p1_hbm, xs_hbm, buf, idx0, idx1, sem):
        wid = lax.axis_index("s") * NC + lax.axis_index("c")
        for c in range(NCH):
            base = wid * TPW + c * CH
            pltpu.sync_copy(xf_hbm.at[pl.ds(base, CH)], buf)
            pltpu.sync_copy(p0_hbm.at[pl.ds(base, CH)], idx0)
            pltpu.sync_copy(p1_hbm.at[pl.ds(base, CH)], idx1)
            cp0 = pltpu.async_copy(buf, xs_hbm.at[idx0], sem)
            cp1 = pltpu.async_copy(buf, xs_hbm.at[idx1], sem)
            cp0.wait()
            cp1.wait()

    @functools.partial(
        pl.kernel, mesh=mesh,
        out_type=jax.ShapeDtypeStruct((K, T, O // 2), jnp.uint32),
        scratch_types=[
            pltpu.VMEM((CH, O // 2), jnp.uint32),
            pltpu.VMEM((CH,), jnp.int32),
            pltpu.SemaphoreType.DMA,
        ],
    )
    def sc_undispatch(rows_hbm, p0_hbm, p1_hbm, rt_hbm, buf, idx, sem):
        wid = lax.axis_index("s") * NC + lax.axis_index("c")
        for c in range(NCH):
            base = wid * TPW + c * CH
            for slot, p_hbm in ((0, p0_hbm), (1, p1_hbm)):
                pltpu.sync_copy(p_hbm.at[pl.ds(base, CH)], idx)
                pltpu.async_copy(rows_hbm.at[idx], buf, sem).wait()
                pltpu.sync_copy(buf, rt_hbm.at[slot, pl.ds(base, CH)])

    return sc_dispatch, sc_undispatch


def _cv_sq(v):
    return jnp.var(v, ddof=1) / (jnp.mean(v) ** 2 + 1e-10)


def kernel(x, gate_W, expert_W, expert_b):
    B, S, _ = x.shape
    xf = x.reshape(-1, D)

    logits = xf @ gate_W.T

    i12, s12, cnt, imp, ld = _route(logits)

    importance = imp.sum(axis=(0, 1))
    load = ld.sum(axis=(0, 1))
    gate_loss = (_cv_sq(importance) + _cv_sq(load)) * BALANCE_W

    cnt2 = cnt.reshape(NB, E).astype(jnp.int32)
    totals = cnt2.sum(axis=0)
    tiles_e = (totals + M - 1) // M
    cum_tiles = jnp.cumsum(tiles_e)
    nrt = cum_tiles[-1:].astype(jnp.int32)
    seg_off = (cum_tiles - tiles_e) * M
    eid = jnp.minimum(jnp.searchsorted(
        cum_tiles, jnp.arange(NT, dtype=jnp.int32), side='right'), E - 1
    ).astype(jnp.int32)
    carry = (seg_off[None, :]
             + jnp.cumsum(cnt2, axis=0) - cnt2).astype(jnp.float32)
    carry = carry.reshape(NB, 1, E)

    pos = _positions(i12, carry)
    p0 = pos[:, 0]
    p1 = pos[:, 1]

    sc_dispatch, sc_undispatch = _sc_kernels()

    xp = _pack_x(xf)
    xs = sc_dispatch(xp, p0, p1)

    rows = _grouped_matmul(xs, expert_W, eid, nrt)

    rt = sc_undispatch(rows, p0, p1)

    y = _combine(rt, s12, i12, expert_b)
    return y.reshape(B, S, O), gate_loss

# --- scband reference (transcript-rebuilt; emitter-appended) ---
"""Pipeline reference for scband-linear-mo-elayer-1924145348662 (READ-ONLY COPY).

The authoritative reference and input builder live on the scoring server;
editing this copy changes nothing except your own understanding.
"""

import jax, jax.numpy as jnp
import numpy as np

INPUT_SIZE = 1024
OUTPUT_SIZE = 1024
NUM_EXPERTS = 16
NUM_SELECTS = 2
BALANCE_LOSS_WEIGHT = 0.01
BATCH = 2
SEQ_LEN = 2048


def setup_inputs(seed: int = 0) -> dict:
    key = jax.random.key(seed)
    k1, k2, k3, k4 = jax.random.split(key, 4)
    x = jax.random.normal(k1, (BATCH, SEQ_LEN, INPUT_SIZE), dtype=jnp.float32)
    gate_W = jax.random.normal(k2, (NUM_EXPERTS, INPUT_SIZE), dtype=jnp.float32) * (1.0 / np.sqrt(INPUT_SIZE))
    expert_W = jax.random.normal(k3, (NUM_EXPERTS, OUTPUT_SIZE, INPUT_SIZE), dtype=jnp.float32) * (1.0 / np.sqrt(INPUT_SIZE))
    expert_b = jax.random.normal(k4, (NUM_EXPERTS, OUTPUT_SIZE), dtype=jnp.float32) * 0.01
    return {"x": x, "gate_W": gate_W, "expert_W": expert_W, "expert_b": expert_b}


def _cv_squared(v):
    eps = 1e-10
    return jnp.var(v, ddof=1) / (jnp.mean(v) ** 2 + eps)


def _moe_forward(x, gate_W, expert_W, expert_b):
    B, S, D = x.shape
    xf = x.reshape(-1, D)
    T = xf.shape[0]
    # TopKBalancedNoisyGate (eval path, add_noise=False), linear gate network
    logits = xf @ gate_W.T  # [T, E]
    top_logits, top_indices = jax.lax.top_k(logits, NUM_SELECTS)
    top_scores = jax.nn.softmax(top_logits.astype(jnp.float32), axis=1)  # use_softmax=True
    scores_filtered = jnp.zeros_like(logits).at[jnp.arange(T)[:, None], top_indices].set(top_scores)
    importance = scores_filtered.sum(axis=0)
    load = (scores_filtered > 0).sum(axis=0).astype(jnp.float32)
    gate_loss = (_cv_squared(importance) + _cv_squared(load)) * BALANCE_LOSS_WEIGHT
    # UniversalCalculator with LinearExperts: y = sum_e score[t,e] * (x @ W_e^T + b_e)
    # (math-equivalent dense form of sort/split/index_add dispatch; multiply_gate_scores=True)
    y = jnp.zeros((T, OUTPUT_SIZE), dtype=xf.dtype)
    for e in range(NUM_EXPERTS):
        expert_out = xf @ expert_W[e].T + expert_b[e]
        y = y + scores_filtered[:, e:e + 1] * expert_out
    return y.reshape(B, S, OUTPUT_SIZE), gate_loss


def reference(x, gate_W, expert_W, expert_b):
    return _moe_forward(x, gate_W, expert_W, expert_b)

if __name__ == "__main__":
    import jax
    _d = setup_inputs()
    print(jax.jit(kernel)(*tuple(_d.values())))

</pallas_src>

<mosaic_0001>
#map = affine_map<(d0, d1) -> (0, 0)>
#map1 = affine_map<(d0, d1) -> (0)>
#map2 = affine_map<(d0, d1) -> (0, 0, 0)>
module attributes {stable_mosaic.version = 14 : i64} {
  func.func @sc_undispatch(%arg0: i32, %arg1: i32, %arg2: memref<16384x512xi32, #tpu.memory_space<hbm>>, %arg3: memref<4096xi32, #tpu.memory_space<hbm>>, %arg4: memref<4096xi32, #tpu.memory_space<hbm>>, %arg5: memref<2x4096x512xi32, #tpu.memory_space<hbm>>, %arg6: memref<128x512xi32, #tpu.memory_space<vmem>>, %arg7: memref<128xi32, #tpu.memory_space<vmem>>, %arg8: memref<!tpu.dma_semaphore, #tpu.memory_space<semaphore_mem>>) attributes {dimension_semantics = [#tpu.dimension_semantics<core_parallel>, #tpu.dimension_semantics<subcore_parallel>], iteration_bounds = array<i64: 2, 16>, scalar_prefetch = 0 : i64, scratch_operands = 3 : i64, tpu.core_type = #tpu.core_type<sc_vector_subcore>, window_params = [{transform_indices = #map}, {transform_indices = #map1}, {transform_indices = #map1}, {transform_indices = #map2}]} {
    %mul3A = arith.constant 2 : i32
    %mul3A_0 = arith.muli %arg1, %mul3A : i32
    %add3A = arith.addi %mul3A_0, %arg0 : i32
    %mul3A_1 = arith.constant 128 : i32
    %mul3A_2 = arith.muli %add3A, %mul3A_1 : i32
    %add3A_3 = arith.constant 0 : i32
    %add3A_4 = arith.addi %mul3A_2, %add3A_3 : i32
    "tpu.region"() ({
      %run_scoped3A_16 = tpu.sem_alloc : memref<!tpu.dma_semaphore, #tpu.memory_space<semaphore_mem>>
      %dma_start3A_17 = tpu.memref_slice %arg3[%add3A_4] : memref<4096xi32, #tpu.memory_space<hbm>> -> memref<128xi32, #tpu.memory_space<hbm>>
      %dma_start3A_18 = tpu.memref_slice %arg3[%add3A_4] : memref<4096xi32, #tpu.memory_space<hbm>> -> memref<128xi32, #tpu.memory_space<hbm>>
      tpu.enqueue_dma source(%dma_start3A_18 : memref<128xi32, #tpu.memory_space<hbm>>) target(%arg7 : memref<128xi32, #tpu.memory_space<vmem>>) target_semaphore(%run_scoped3A_16 : memref<!tpu.dma_semaphore, #tpu.memory_space<semaphore_mem>>)
      %dma_wait3A_19 = tpu.memref_slice %arg3[%add3A_4] : memref<4096xi32, #tpu.memory_space<hbm>> -> memref<128xi32, #tpu.memory_space<hbm>>
      %dma_wait3A_20 = tpu.memref_slice %arg3[%add3A_4] : memref<4096xi32, #tpu.memory_space<hbm>> -> memref<128xi32, #tpu.memory_space<hbm>>
      tpu.wait_dma2 semaphore(%run_scoped3A_16 : memref<!tpu.dma_semaphore, #tpu.memory_space<semaphore_mem>>) src(%dma_wait3A_20 : memref<128xi32, #tpu.memory_space<hbm>>) dst(%arg7 : memref<128xi32, #tpu.memory_space<vmem>>)
      tpu.yield
    }) : () -> ()
    %dma_start3A = arith.constant 0 : i32
    %dma_start3A_5 = arith.constant 0 : i32
    %dma_start3A_6 = tpu.memref_slice %arg2[%dma_start3A, %dma_start3A_5] : memref<16384x512xi32, #tpu.memory_space<hbm>> -> memref<16384x512xi32, #tpu.memory_space<hbm>>
    tpu.enqueue_indirect_dma source(%dma_start3A_6 : memref<16384x512xi32, #tpu.memory_space<hbm>>) target(%arg6 : memref<128x512xi32, #tpu.memory_space<vmem>>) offsets(%arg7 : memref<128xi32, #tpu.memory_space<vmem>>) semaphore(%arg8 : memref<!tpu.dma_semaphore, #tpu.memory_space<semaphore_mem>>)
    %dma_wait3A = arith.constant 0 : i32
    %dma_wait3A_7 = arith.constant 0 : i32
    %dma_wait3A_8 = tpu.memref_slice %arg2[%dma_wait3A, %dma_wait3A_7] : memref<16384x512xi32, #tpu.memory_space<hbm>> -> memref<16384x512xi32, #tpu.memory_space<hbm>>
    tpu.wait_indirect_dma semaphore(%arg8 : memref<!tpu.dma_semaphore, #tpu.memory_space<semaphore_mem>>) src(%dma_wait3A_8 : memref<16384x512xi32, #tpu.memory_space<hbm>>) dst(%arg6 : memref<128x512xi32, #tpu.memory_space<vmem>>)
    %run_scoped3A = arith.constant 0 : i32
    "tpu.region"() ({
      %run_scoped3A_16 = tpu.sem_alloc : memref<!tpu.dma_semaphore, #tpu.memory_space<semaphore_mem>>
      %dma_start3A_17 = arith.constant 0 : i32
      %dma_start3A_18 = tpu.memref_slice %arg5[%run_scoped3A, %add3A_4, %dma_start3A_17] : memref<2x4096x512xi32, #tpu.memory_space<hbm>> -> memref<1x128x512xi32, #tpu.memory_space<hbm>>
      %dma_start3A_19 = tpu.memref_squeeze %dma_start3A_18 : memref<1x128x512xi32, #tpu.memory_space<hbm>> -> memref<128x512xi32, #tpu.memory_space<hbm>>
      %dma_start3A_20 = arith.constant 0 : i32
      %dma_start3A_21 = tpu.memref_slice %arg5[%run_scoped3A, %add3A_4, %dma_start3A_20] : memref<2x4096x512xi32, #tpu.memory_space<hbm>> -> memref<1x128x512xi32, #tpu.memory_space<hbm>>
      %dma_start3A_22 = tpu.memref_squeeze %dma_start3A_21 : memref<1x128x512xi32, #tpu.memory_space<hbm>> -> memref<128x512xi32, #tpu.memory_space<hbm>>
      tpu.enqueue_dma source(%arg6 : memref<128x512xi32, #tpu.memory_space<vmem>>) target(%dma_start3A_22 : memref<128x512xi32, #tpu.memory_space<hbm>>) target_semaphore(%run_scoped3A_16 : memref<!tpu.dma_semaphore, #tpu.memory_space<semaphore_mem>>)
      %dma_wait3A_23 = arith.constant 0 : i32
      %dma_wait3A_24 = tpu.memref_slice %arg5[%run_scoped3A, %add3A_4, %dma_wait3A_23] : memref<2x4096x512xi32, #tpu.memory_space<hbm>> -> memref<1x128x512xi32, #tpu.memory_space<hbm>>
      %dma_wait3A_25 = tpu.memref_squeeze %dma_wait3A_24 : memref<1x128x512xi32, #tpu.memory_space<hbm>> -> memref<128x512xi32, #tpu.memory_space<hbm>>
      %dma_wait3A_26 = arith.constant 0 : i32
      %dma_wait3A_27 = tpu.memref_slice %arg5[%run_scoped3A, %add3A_4, %dma_wait3A_26] : memref<2x4096x512xi32, #tpu.memory_space<hbm>> -> memref<1x128x512xi32, #tpu.memory_space<hbm>>
      %dma_wait3A_28 = tpu.memref_squeeze %dma_wait3A_27 : memref<1x128x512xi32, #tpu.memory_space<hbm>> -> memref<128x512xi32, #tpu.memory_space<hbm>>
      tpu.wait_dma2 semaphore(%run_scoped3A_16 : memref<!tpu.dma_semaphore, #tpu.memory_space<semaphore_mem>>) src(%arg6 : memref<128x512xi32, #tpu.memory_space<vmem>>) dst(%dma_wait3A_28 : memref<128x512xi32, #tpu.memory_space<hbm>>)
      tpu.yield
    }) : () -> ()
    "tpu.region"() ({
      %run_scoped3A_16 = tpu.sem_alloc : memref<!tpu.dma_semaphore, #tpu.memory_space<semaphore_mem>>
      %dma_start3A_17 = tpu.memref_slice %arg4[%add3A_4] : memref<4096xi32, #tpu.memory_space<hbm>> -> memref<128xi32, #tpu.memory_space<hbm>>
      %dma_start3A_18 = tpu.memref_slice %arg4[%add3A_4] : memref<4096xi32, #tpu.memory_space<hbm>> -> memref<128xi32, #tpu.memory_space<hbm>>
      tpu.enqueue_dma source(%dma_start3A_18 : memref<128xi32, #tpu.memory_space<hbm>>) target(%arg7 : memref<128xi32, #tpu.memory_space<vmem>>) target_semaphore(%run_scoped3A_16 : memref<!tpu.dma_semaphore, #tpu.memory_space<semaphore_mem>>)
      %dma_wait3A_19 = tpu.memref_slice %arg4[%add3A_4] : memref<4096xi32, #tpu.memory_space<hbm>> -> memref<128xi32, #tpu.memory_space<hbm>>
      %dma_wait3A_20 = tpu.memref_slice %arg4[%add3A_4] : memref<4096xi32, #tpu.memory_space<hbm>> -> memref<128xi32, #tpu.memory_space<hbm>>
      tpu.wait_dma2 semaphore(%run_scoped3A_16 : memref<!tpu.dma_semaphore, #tpu.memory_space<semaphore_mem>>) src(%dma_wait3A_20 : memref<128xi32, #tpu.memory_space<hbm>>) dst(%arg7 : memref<128xi32, #tpu.memory_space<vmem>>)
      tpu.yield
    }) : () -> ()
    %dma_start3A_9 = arith.constant 0 : i32
    %dma_start3A_10 = arith.constant 0 : i32
    %dma_start3A_11 = tpu.memref_slice %arg2[%dma_start3A_9, %dma_start3A_10] : memref<16384x512xi32, #tpu.memory_space<hbm>> -> memref<16384x512xi32, #tpu.memory_space<hbm>>
    tpu.enqueue_indirect_dma source(%dma_start3A_11 : memref<16384x512xi32, #tpu.memory_space<hbm>>) target(%arg6 : memref<128x512xi32, #tpu.memory_space<vmem>>) offsets(%arg7 : memref<128xi32, #tpu.memory_space<vmem>>) semaphore(%arg8 : memref<!tpu.dma_semaphore, #tpu.memory_space<semaphore_mem>>)
    %dma_wait3A_12 = arith.constant 0 : i32
    %dma_wait3A_13 = arith.constant 0 : i32
    %dma_wait3A_14 = tpu.memref_slice %arg2[%dma_wait3A_12, %dma_wait3A_13] : memref<16384x512xi32, #tpu.memory_space<hbm>> -> memref<16384x512xi32, #tpu.memory_space<hbm>>
    tpu.wait_indirect_dma semaphore(%arg8 : memref<!tpu.dma_semaphore, #tpu.memory_space<semaphore_mem>>) src(%dma_wait3A_14 : memref<16384x512xi32, #tpu.memory_space<hbm>>) dst(%arg6 : memref<128x512xi32, #tpu.memory_space<vmem>>)
    %run_scoped3A_15 = arith.constant 1 : i32
    "tpu.region"() ({
      %run_scoped3A_16 = tpu.sem_alloc : memref<!tpu.dma_semaphore, #tpu.memory_space<semaphore_mem>>
      %dma_start3A_17 = arith.constant 0 : i32
      %dma_start3A_18 = tpu.memref_slice %arg5[%run_scoped3A_15, %add3A_4, %dma_start3A_17] : memref<2x4096x512xi32, #tpu.memory_space<hbm>> -> memref<1x128x512xi32, #tpu.memory_space<hbm>>
      %dma_start3A_19 = tpu.memref_squeeze %dma_start3A_18 : memref<1x128x512xi32, #tpu.memory_space<hbm>> -> memref<128x512xi32, #tpu.memory_space<hbm>>
      %dma_start3A_20 = arith.constant 0 : i32
      %dma_start3A_21 = tpu.memref_slice %arg5[%run_scoped3A_15, %add3A_4, %dma_start3A_20] : memref<2x4096x512xi32, #tpu.memory_space<hbm>> -> memref<1x128x512xi32, #tpu.memory_space<hbm>>
      %dma_start3A_22 = tpu.memref_squeeze %dma_start3A_21 : memref<1x128x512xi32, #tpu.memory_space<hbm>> -> memref<128x512xi32, #tpu.memory_space<hbm>>
      tpu.enqueue_dma source(%arg6 : memref<128x512xi32, #tpu.memory_space<vmem>>) target(%dma_start3A_22 : memref<128x512xi32, #tpu.memory_space<hbm>>) target_semaphore(%run_scoped3A_16 : memref<!tpu.dma_semaphore, #tpu.memory_space<semaphore_mem>>)
      %dma_wait3A_23 = arith.constant 0 : i32
      %dma_wait3A_24 = tpu.memref_slice %arg5[%run_scoped3A_15, %add3A_4, %dma_wait3A_23] : memref<2x4096x512xi32, #tpu.memory_space<hbm>> -> memref<1x128x512xi32, #tpu.memory_space<hbm>>
      %dma_wait3A_25 = tpu.memref_squeeze %dma_wait3A_24 : memref<1x128x512xi32, #tpu.memory_space<hbm>> -> memref<128x512xi32, #tpu.memory_space<hbm>>
      %dma_wait3A_26 = arith.constant 0 : i32
      %dma_wait3A_27 = tpu.memref_slice %arg5[%run_scoped3A_15, %add3A_4, %dma_wait3A_26] : memref<2x4096x512xi32, #tpu.memory_space<hbm>> -> memref<1x128x512xi32, #tpu.memory_space<hbm>>
      %dma_wait3A_28 = tpu.memref_squeeze %dma_wait3A_27 : memref<1x128x512xi32, #tpu.memory_space<hbm>> -> memref<128x512xi32, #tpu.memory_space<hbm>>
      tpu.wait_dma2 semaphore(%run_scoped3A_16 : memref<!tpu.dma_semaphore, #tpu.memory_space<semaphore_mem>>) src(%arg6 : memref<128x512xi32, #tpu.memory_space<vmem>>) dst(%dma_wait3A_28 : memref<128x512xi32, #tpu.memory_space<hbm>>)
      tpu.yield
    }) : () -> ()
    return
  }
}

#map = affine_map<(d0, d1) -> (0, 0)>
#map1 = affine_map<(d0, d1) -> (0)>
module attributes {stable_mosaic.version = 14 : i64} {
  func.func @sc_dispatch(%arg0: i32, %arg1: i32, %arg2: memref<4096x512xi32, #tpu.memory_space<hbm>>, %arg3: memref<4096xi32, #tpu.memory_space<hbm>>, %arg4: memref<4096xi32, #tpu.memory_space<hbm>>, %arg5: memref<16384x512xi32, #tpu.memory_space<hbm>>, %arg6: memref<128x512xi32, #tpu.memory_space<vmem>>, %arg7: memref<128xi32, #tpu.memory_space<vmem>>, %arg8: memref<128xi32, #tpu.memory_space<vmem>>, %arg9: memref<!tpu.dma_semaphore, #tpu.memory_space<semaphore_mem>>) attributes {dimension_semantics = [#tpu.dimension_semantics<core_parallel>, #tpu.dimension_semantics<subcore_parallel>], iteration_bounds = array<i64: 2, 16>, scalar_prefetch = 0 : i64, scratch_operands = 4 : i64, tpu.core_type = #tpu.core_type<sc_vector_subcore>, window_params = [{transform_indices = #map}, {transform_indices = #map1}, {transform_indices = #map1}, {transform_indices = #map}]} {
    %mul3A = arith.constant 2 : i32
    %mul3A_0 = arith.muli %arg1, %mul3A : i32
    %add3A = arith.addi %mul3A_0, %arg0 : i32
    %mul3A_1 = arith.constant 128 : i32
    %mul3A_2 = arith.muli %add3A, %mul3A_1 : i32
    %add3A_3 = arith.constant 0 : i32
    %add3A_4 = arith.addi %mul3A_2, %add3A_3 : i32
    "tpu.region"() ({
      %run_scoped3A = tpu.sem_alloc : memref<!tpu.dma_semaphore, #tpu.memory_space<semaphore_mem>>
      %dma_start3A_15 = arith.constant 0 : i32
      %dma_start3A_16 = tpu.memref_slice %arg2[%add3A_4, %dma_start3A_15] : memref<4096x512xi32, #tpu.memory_space<hbm>> -> memref<128x512xi32, #tpu.memory_space<hbm>>
      %dma_start3A_17 = arith.constant 0 : i32
      %dma_start3A_18 = tpu.memref_slice %arg2[%add3A_4, %dma_start3A_17] : memref<4096x512xi32, #tpu.memory_space<hbm>> -> memref<128x512xi32, #tpu.memory_space<hbm>>
      tpu.enqueue_dma source(%dma_start3A_18 : memref<128x512xi32, #tpu.memory_space<hbm>>) target(%arg6 : memref<128x512xi32, #tpu.memory_space<vmem>>) target_semaphore(%run_scoped3A : memref<!tpu.dma_semaphore, #tpu.memory_space<semaphore_mem>>)
      %dma_wait3A_19 = arith.constant 0 : i32
      %dma_wait3A_20 = tpu.memref_slice %arg2[%add3A_4, %dma_wait3A_19] : memref<4096x512xi32, #tpu.memory_space<hbm>> -> memref<128x512xi32, #tpu.memory_space<hbm>>
      %dma_wait3A_21 = arith.constant 0 : i32
      %dma_wait3A_22 = tpu.memref_slice %arg2[%add3A_4, %dma_wait3A_21] : memref<4096x512xi32, #tpu.memory_space<hbm>> -> memref<128x512xi32, #tpu.memory_space<hbm>>
      tpu.wait_dma2 semaphore(%run_scoped3A : memref<!tpu.dma_semaphore, #tpu.memory_space<semaphore_mem>>) src(%dma_wait3A_22 : memref<128x512xi32, #tpu.memory_space<hbm>>) dst(%arg6 : memref<128x512xi32, #tpu.memory_space<vmem>>)
      tpu.yield
    }) : () -> ()
    "tpu.region"() ({
      %run_scoped3A = tpu.sem_alloc : memref<!tpu.dma_semaphore, #tpu.memory_space<semaphore_mem>>
      %dma_start3A_15 = tpu.memref_slice %arg3[%add3A_4] : memref<4096xi32, #tpu.memory_space<hbm>> -> memref<128xi32, #tpu.memory_space<hbm>>
      %dma_start3A_16 = tpu.memref_slice %arg3[%add3A_4] : memref<4096xi32, #tpu.memory_space<hbm>> -> memref<128xi32, #tpu.memory_space<hbm>>
      tpu.enqueue_dma source(%dma_start3A_16 : memref<128xi32, #tpu.memory_space<hbm>>) target(%arg7 : memref<128xi32, #tpu.memory_space<vmem>>) target_semaphore(%run_scoped3A : memref<!tpu.dma_semaphore, #tpu.memory_space<semaphore_mem>>)
      %dma_wait3A_17 = tpu.memref_slice %arg3[%add3A_4] : memref<4096xi32, #tpu.memory_space<hbm>> -> memref<128xi32, #tpu.memory_space<hbm>>
      %dma_wait3A_18 = tpu.memref_slice %arg3[%add3A_4] : memref<4096xi32, #tpu.memory_space<hbm>> -> memref<128xi32, #tpu.memory_space<hbm>>
      tpu.wait_dma2 semaphore(%run_scoped3A : memref<!tpu.dma_semaphore, #tpu.memory_space<semaphore_mem>>) src(%dma_wait3A_18 : memref<128xi32, #tpu.memory_space<hbm>>) dst(%arg7 : memref<128xi32, #tpu.memory_space<vmem>>)
      tpu.yield
    }) : () -> ()
    "tpu.region"() ({
      %run_scoped3A = tpu.sem_alloc : memref<!tpu.dma_semaphore, #tpu.memory_space<semaphore_mem>>
      %dma_start3A_15 = tpu.memref_slice %arg4[%add3A_4] : memref<4096xi32, #tpu.memory_space<hbm>> -> memref<128xi32, #tpu.memory_space<hbm>>
      %dma_start3A_16 = tpu.memref_slice %arg4[%add3A_4] : memref<4096xi32, #tpu.memory_space<hbm>> -> memref<128xi32, #tpu.memory_space<hbm>>
      tpu.enqueue_dma source(%dma_start3A_16 : memref<128xi32, #tpu.memory_space<hbm>>) target(%arg8 : memref<128xi32, #tpu.memory_space<vmem>>) target_semaphore(%run_scoped3A : memref<!tpu.dma_semaphore, #tpu.memory_space<semaphore_mem>>)
      %dma_wait3A_17 = tpu.memref_slice %arg4[%add3A_4] : memref<4096xi32, #tpu.memory_space<hbm>> -> memref<128xi32, #tpu.memory_space<hbm>>
      %dma_wait3A_18 = tpu.memref_slice %arg4[%add3A_4] : memref<4096xi32, #tpu.memory_space<hbm>> -> memref<128xi32, #tpu.memory_space<hbm>>
      tpu.wait_dma2 semaphore(%run_scoped3A : memref<!tpu.dma_semaphore, #tpu.memory_space<semaphore_mem>>) src(%dma_wait3A_18 : memref<128xi32, #tpu.memory_space<hbm>>) dst(%arg8 : memref<128xi32, #tpu.memory_space<vmem>>)
      tpu.yield
    }) : () -> ()
    %dma_start3A = arith.constant 0 : i32
    %dma_start3A_5 = arith.constant 0 : i32
    %dma_start3A_6 = tpu.memref_slice %arg5[%dma_start3A, %dma_start3A_5] : memref<16384x512xi32, #tpu.memory_space<hbm>> -> memref<16384x512xi32, #tpu.memory_space<hbm>>
    tpu.enqueue_indirect_dma source(%arg6 : memref<128x512xi32, #tpu.memory_space<vmem>>) target(%dma_start3A_6 : memref<16384x512xi32, #tpu.memory_space<hbm>>) offsets(%arg7 : memref<128xi32, #tpu.memory_space<vmem>>) semaphore(%arg9 : memref<!tpu.dma_semaphore, #tpu.memory_space<semaphore_mem>>)
    %dma_start3A_7 = arith.constant 0 : i32
    %dma_start3A_8 = arith.constant 0 : i32
    %dma_start3A_9 = tpu.memref_slice %arg5[%dma_start3A_7, %dma_start3A_8] : memref<16384x512xi32, #tpu.memory_space<hbm>> -> memref<16384x512xi32, #tpu.memory_space<hbm>>
    tpu.enqueue_indirect_dma source(%arg6 : memref<128x512xi32, #tpu.memory_space<vmem>>) target(%dma_start3A_9 : memref<16384x512xi32, #tpu.memory_space<hbm>>) offsets(%arg8 : memref<128xi32, #tpu.memory_space<vmem>>) semaphore(%arg9 : memref<!tpu.dma_semaphore, #tpu.memory_space<semaphore_mem>>)
    %dma_wait3A = arith.constant 0 : i32
    %dma_wait3A_10 = arith.constant 0 : i32
    %dma_wait3A_11 = tpu.memref_slice %arg5[%dma_wait3A, %dma_wait3A_10] : memref<16384x512xi32, #tpu.memory_space<hbm>> -> memref<16384x512xi32, #tpu.memory_space<hbm>>
    tpu.wait_indirect_dma semaphore(%arg9 : memref<!tpu.dma_semaphore, #tpu.memory_space<semaphore_mem>>) src(%arg6 : memref<128x512xi32, #tpu.memory_space<vmem>>) dst(%dma_wait3A_11 : memref<16384x512xi32, #tpu.memory_space<hbm>>)
    %dma_wait3A_12 = arith.constant 0 : i32
    %dma_wait3A_13 = arith.constant 0 : i32
    %dma_wait3A_14 = tpu.memref_slice %arg5[%dma_wait3A_12, %dma_wait3A_13] : memref<16384x512xi32, #tpu.memory_space<hbm>> -> memref<16384x512xi32, #tpu.memory_space<hbm>>
    tpu.wait_indirect_dma semaphore(%arg9 : memref<!tpu.dma_semaphore, #tpu.memory_space<semaphore_mem>>) src(%arg6 : memref<128x512xi32, #tpu.memory_space<vmem>>) dst(%dma_wait3A_14 : memref<16384x512xi32, #tpu.memory_space<hbm>>)
    return
  }
}

module attributes {stable_mosaic.version = 14 : i64} {
  func.func @_pack_body(%arg0: i32, %arg1: memref<512x1024xf32, #tpu.memory_space<vmem>>, %arg2: memref<512x512xi32, #tpu.memory_space<vmem>>) attributes {dimension_semantics = [#tpu.dimension_semantics<arbitrary>], iteration_bounds = array<i64: 8>, scalar_prefetch = 0 : i64, scratch_operands = 0 : i64, tpu.core_type = #tpu.core_type<tc>, window_params = [{transform_indices = @transform_0, window_bounds = array<i64: 512, 1024>}, {transform_indices = @transform_1, window_bounds = array<i64: 512, 512>}]} {
    %get3A = arith.constant 0 : index
    %get3A_0 = arith.constant 0 : index
    %get3A_1 = vector.load %arg1[%get3A, %get3A_0] : memref<512x1024xf32, #tpu.memory_space<vmem>>, vector<512x512xf32>
    %bitcast_convert_type3A = tpu.bitcast %get3A_1 : vector<512x512xf32> -> vector<512x512xi32>
    %get3A_2 = arith.constant 0 : index
    %get3A_3 = arith.constant 512 : index
    %get3A_4 = vector.load %arg1[%get3A_2, %get3A_3] : memref<512x1024xf32, #tpu.memory_space<vmem>>, vector<512x512xf32>
    %bitcast_convert_type3A_5 = tpu.bitcast %get3A_4 : vector<512x512xf32> -> vector<512x512xi32>
    %add3A = arith.constant 32767 : i32
    %add3A_6 = vector.broadcast %add3A : i32 to vector<512x512xi32>
    %add3A_7 = arith.addi %bitcast_convert_type3A, %add3A_6 : vector<512x512xi32>
    %shift_right_logical3A = arith.constant 16 : i32
    %shift_right_logical3A_8 = vector.broadcast %shift_right_logical3A : i32 to vector<512x512xi32>
    %shift_right_logical3A_9 = arith.shrui %bitcast_convert_type3A, %shift_right_logical3A_8 : vector<512x512xi32>
    %and3A = arith.constant 1 : i32
    %and3A_10 = vector.broadcast %and3A : i32 to vector<512x512xi32>
    %and3A_11 = arith.andi %shift_right_logical3A_9, %and3A_10 : vector<512x512xi32>
    %add3A_12 = arith.addi %add3A_7, %and3A_11 : vector<512x512xi32>
    %shift_right_logical3A_13 = arith.constant 16 : i32
    %shift_right_logical3A_14 = vector.broadcast %shift_right_logical3A_13 : i32 to vector<512x512xi32>
    %shift_right_logical3A_15 = arith.shrui %add3A_12, %shift_right_logical3A_14 : vector<512x512xi32>
    %add3A_16 = arith.constant 32767 : i32
    %add3A_17 = vector.broadcast %add3A_16 : i32 to vector<512x512xi32>
    %add3A_18 = arith.addi %bitcast_convert_type3A_5, %add3A_17 : vector<512x512xi32>
    %shift_right_logical3A_19 = arith.constant 16 : i32
    %shift_right_logical3A_20 = vector.broadcast %shift_right_logical3A_19 : i32 to vector<512x512xi32>
    %shift_right_logical3A_21 = arith.shrui %bitcast_convert_type3A_5, %shift_right_logical3A_20 : vector<512x512xi32>
    %and3A_22 = arith.constant 1 : i32
    %and3A_23 = vector.broadcast %and3A_22 : i32 to vector<512x512xi32>
    %and3A_24 = arith.andi %shift_right_logical3A_21, %and3A_23 : vector<512x512xi32>
    %add3A_25 = arith.addi %add3A_18, %and3A_24 : vector<512x512xi32>
    %and3A_26 = arith.constant -65536 : i32
    %and3A_27 = vector.broadcast %and3A_26 : i32 to vector<512x512xi32>
    %and3A_28 = arith.andi %add3A_25, %and3A_27 : vector<512x512xi32>
    %or3A = arith.ori %shift_right_logical3A_15, %and3A_28 : vector<512x512xi32>
    %swap3A = arith.constant 0 : index
    %swap3A_29 = arith.constant 0 : index
    %swap3A_30 = vector.load %arg2[%swap3A, %swap3A_29] : memref<512x512xi32, #tpu.memory_space<vmem>>, vector<512x512xi32>
    tpu.vector_store %arg2[%swap3A, %swap3A_29], %or3A {strides = array<i32>} : memref<512x512xi32, #tpu.memory_space<vmem>>, vector<512x512xi32>,
    return
  }
  func.func @transform_0(%arg0: i32) -> (i32, i32) {
    %c0_i32 = arith.constant 0 : i32
    %c0_i32_0 = arith.constant 0 : i32
    return %arg0, %c0_i32 : i32, i32
  }
  func.func @transform_1(%arg0: i32) -> (i32, i32) {
    %c0_i32 = arith.constant 0 : i32
    %c0_i32_0 = arith.constant 0 : i32
    return %arg0, %c0_i32 : i32, i32
  }
}

module attributes {stable_mosaic.version = 14 : i64} {
  func.func @_route_body(%arg0: i32, %arg1: memref<512x16xf32, #tpu.memory_space<vmem>>, %arg2: memref<512x2xi32, #tpu.memory_space<vmem>>, %arg3: memref<512x2xf32, #tpu.memory_space<vmem>>, %arg4: memref<1x1x16xf32, #tpu.memory_space<vmem>>, %arg5: memref<1x1x16xf32, #tpu.memory_space<vmem>>, %arg6: memref<1x1x16xf32, #tpu.memory_space<vmem>>) attributes {dimension_semantics = [#tpu.dimension_semantics<arbitrary>], iteration_bounds = array<i64: 8>, scalar_prefetch = 0 : i64, scratch_operands = 0 : i64, tpu.core_type = #tpu.core_type<tc>, window_params = [{transform_indices = @transform_0, window_bounds = array<i64: 512, 16>}, {transform_indices = @transform_1, window_bounds = array<i64: 512, 2>}, {transform_indices = @transform_2, window_bounds = array<i64: 512, 2>}, {transform_indices = @transform_3, window_bounds = array<i64: 1, 1, 16>}, {transform_indices = @transform_4, window_bounds = array<i64: 1, 1, 16>}, {transform_indices = @transform_5, window_bounds = array<i64: 1, 1, 16>}]} {
    %get3A = arith.constant 0 : index
    %get3A_0 = arith.constant 0 : index
    %get3A_1 = vector.load %arg1[%get3A, %get3A_0] : memref<512x16xf32, #tpu.memory_space<vmem>>, vector<512x16xf32>
    %iota3A = tpu.iota {dimensions = array<i32: 1>} : vector<512x16xi32>
    %reduce_max3A = arith.constant dense<0xFF800000> : vector<512xf32>
    %reduce_max3A_2 = vector.multi_reduction <maximumf>, %get3A_1, %reduce_max3A [1] : vector<512x16xf32> to vector<512xf32>
    %broadcast_in_dim3A = vector.shape_cast %reduce_max3A_2 : vector<512xf32> to vector<512x1xf32>
    %eq3A = vector.broadcast %broadcast_in_dim3A : vector<512x1xf32> to vector<512x16xf32>
    %eq3A_3 = arith.cmpf oeq, %get3A_1, %eq3A : vector<512x16xf32>
    %jit3A = arith.constant 16 : i32
    %broadcast_in_dim3A_4 = vector.broadcast %jit3A : i32 to vector<512x16xi32>
    %select_n3A = arith.select %eq3A_3, %iota3A, %broadcast_in_dim3A_4 : vector<512x16xi1>, vector<512x16xi32>
    %reduce_min3A = arith.constant dense<2147483647> : vector<512xi32>
    %reduce_min3A_5 = vector.multi_reduction <minsi>, %select_n3A, %reduce_min3A [1] : vector<512x16xi32> to vector<512xi32>
    %broadcast_in_dim3A_6 = vector.shape_cast %reduce_min3A_5 : vector<512xi32> to vector<512x1xi32>
    %eq3A_7 = vector.broadcast %broadcast_in_dim3A_6 : vector<512x1xi32> to vector<512x16xi32>
    %eq3A_8 = arith.cmpi eq, %iota3A, %eq3A_7 : vector<512x16xi32>
    %jit3A_9 = arith.constant 0xFF800000 : f32
    %broadcast_in_dim3A_10 = vector.broadcast %jit3A_9 : f32 to vector<512x16xf32>
    %select_n3A_11 = arith.select %eq3A_8, %broadcast_in_dim3A_10, %get3A_1 : vector<512x16xi1>, vector<512x16xf32>
    %reduce_max3A_12 = arith.constant dense<0xFF800000> : vector<512xf32>
    %reduce_max3A_13 = vector.multi_reduction <maximumf>, %select_n3A_11, %reduce_max3A_12 [1] : vector<512x16xf32> to vector<512xf32>
    %broadcast_in_dim3A_14 = vector.shape_cast %reduce_max3A_13 : vector<512xf32> to vector<512x1xf32>
    %eq3A_15 = vector.broadcast %broadcast_in_dim3A_14 : vector<512x1xf32> to vector<512x16xf32>
    %eq3A_16 = arith.cmpf oeq, %select_n3A_11, %eq3A_15 : vector<512x16xf32>
    %jit3A_17 = arith.constant 16 : i32
    %broadcast_in_dim3A_18 = vector.broadcast %jit3A_17 : i32 to vector<512x16xi32>
    %select_n3A_19 = arith.select %eq3A_16, %iota3A, %broadcast_in_dim3A_18 : vector<512x16xi1>, vector<512x16xi32>
    %reduce_min3A_20 = arith.constant dense<2147483647> : vector<512xi32>
    %reduce_min3A_21 = vector.multi_reduction <minsi>, %select_n3A_19, %reduce_min3A_20 [1] : vector<512x16xi32> to vector<512xi32>
    %broadcast_in_dim3A_22 = vector.shape_cast %reduce_min3A_21 : vector<512xi32> to vector<512x1xi32>
    %sub3A = arith.subf %broadcast_in_dim3A_14, %broadcast_in_dim3A : vector<512x1xf32>
    %exp3A = math.exp %sub3A : vector<512x1xf32>
    %add3A = arith.constant 1.000000e+00 : f32
    %add3A_23 = vector.broadcast %add3A : f32 to vector<512x1xf32>
    %add3A_24 = arith.addf %add3A_23, %exp3A : vector<512x1xf32>
    %div3A = arith.constant 1.000000e+00 : f32
    %div3A_25 = vector.broadcast %div3A : f32 to vector<512x1xf32>
    %div3A_26 = arith.divf %div3A_25, %add3A_24 : vector<512x1xf32>
    %div3A_27 = arith.divf %exp3A, %add3A_24 : vector<512x1xf32>
    %concatenate3A = tpu.concatenate %broadcast_in_dim3A_6, %broadcast_in_dim3A_22 in 1 : vector<512x1xi32>, vector<512x1xi32> -> vector<512x2xi32>
    %swap3A = arith.constant 0 : index
    %swap3A_28 = arith.constant 0 : index
    %swap3A_29 = vector.load %arg2[%swap3A, %swap3A_28] : memref<512x2xi32, #tpu.memory_space<vmem>>, vector<512x2xi32>
    tpu.vector_store %arg2[%swap3A, %swap3A_28], %concatenate3A {strides = array<i32>} : memref<512x2xi32, #tpu.memory_space<vmem>>, vector<512x2xi32>,
    %concatenate3A_30 = tpu.concatenate %div3A_26, %div3A_27 in 1 : vector<512x1xf32>, vector<512x1xf32> -> vector<512x2xf32>
    %swap3A_31 = arith.constant 0 : index
    %swap3A_32 = arith.constant 0 : index
    %swap3A_33 = vector.load %arg3[%swap3A_31, %swap3A_32] : memref<512x2xf32, #tpu.memory_space<vmem>>, vector<512x2xf32>
    tpu.vector_store %arg3[%swap3A_31, %swap3A_32], %concatenate3A_30 {strides = array<i32>} : memref<512x2xf32, #tpu.memory_space<vmem>>, vector<512x2xf32>,
    %eq3A_34 = vector.broadcast %broadcast_in_dim3A_6 : vector<512x1xi32> to vector<512x16xi32>
    %eq3A_35 = arith.cmpi eq, %iota3A, %eq3A_34 : vector<512x16xi32>
    %convert_element_type3A = arith.extui %eq3A_35 : vector<512x16xi1> to vector<512x16xi32>
    %convert_element_type3A_36 = arith.sitofp %convert_element_type3A : vector<512x16xi32> to vector<512x16xf32>
    %eq3A_37 = vector.broadcast %broadcast_in_dim3A_22 : vector<512x1xi32> to vector<512x16xi32>
    %eq3A_38 = arith.cmpi eq, %iota3A, %eq3A_37 : vector<512x16xi32>
    %convert_element_type3A_39 = arith.extui %eq3A_38 : vector<512x16xi1> to vector<512x16xi32>
    %convert_element_type3A_40 = arith.sitofp %convert_element_type3A_39 : vector<512x16xi32> to vector<512x16xf32>
    %add3A_41 = arith.addf %convert_element_type3A_36, %convert_element_type3A_40 : vector<512x16xf32>
    %reduce_sum3A = arith.constant dense<0.000000e+00> : vector<16xf32>
    %reduce_sum3A_42 = vector.multi_reduction <add>, %add3A_41, %reduce_sum3A [0] : vector<512x16xf32> to vector<16xf32>
    %reshape3A = vector.shape_cast %reduce_sum3A_42 : vector<16xf32> to vector<1x1x16xf32>
    %swap3A_43 = arith.constant 0 : index
    %swap3A_44 = arith.constant 0 : index
    %swap3A_45 = arith.constant 0 : index
    %swap3A_46 = vector.load %arg4[%swap3A_43, %swap3A_44, %swap3A_45] : memref<1x1x16xf32, #tpu.memory_space<vmem>>, vector<1x1x16xf32>
    tpu.vector_store %arg4[%swap3A_43, %swap3A_44, %swap3A_45], %reshape3A {strides = array<i32>} : memref<1x1x16xf32, #tpu.memory_space<vmem>>, vector<1x1x16xf32>,
    %mul3A = vector.broadcast %div3A_26 : vector<512x1xf32> to vector<512x16xf32>
    %mul3A_47 = arith.mulf %convert_element_type3A_36, %mul3A : vector<512x16xf32>
    %mul3A_48 = vector.broadcast %div3A_27 : vector<512x1xf32> to vector<512x16xf32>
    %mul3A_49 = arith.mulf %convert_element_type3A_40, %mul3A_48 : vector<512x16xf32>
    %add3A_50 = arith.addf %mul3A_47, %mul3A_49 : vector<512x16xf32>
    %reduce_sum3A_51 = arith.constant dense<0.000000e+00> : vector<16xf32>
    %reduce_sum3A_52 = vector.multi_reduction <add>, %add3A_50, %reduce_sum3A_51 [0] : vector<512x16xf32> to vector<16xf32>
    %reshape3A_53 = vector.shape_cast %reduce_sum3A_52 : vector<16xf32> to vector<1x1x16xf32>
    %swap3A_54 = arith.constant 0 : index
    %swap3A_55 = arith.constant 0 : index
    %swap3A_56 = arith.constant 0 : index
    %swap3A_57 = vector.load %arg5[%swap3A_54, %swap3A_55, %swap3A_56] : memref<1x1x16xf32, #tpu.memory_space<vmem>>, vector<1x1x16xf32>
    tpu.vector_store %arg5[%swap3A_54, %swap3A_55, %swap3A_56], %reshape3A_53 {strides = array<i32>} : memref<1x1x16xf32, #tpu.memory_space<vmem>>, vector<1x1x16xf32>,
    %gt3A = arith.constant 0.000000e+00 : f32
    %gt3A_58 = vector.broadcast %gt3A : f32 to vector<512x1xf32>
    %gt3A_59 = arith.cmpf ogt, %div3A_26, %gt3A_58 : vector<512x1xf32>
    %convert_element_type3A_60 = arith.extui %gt3A_59 : vector<512x1xi1> to vector<512x1xi32>
    %convert_element_type3A_61 = arith.sitofp %convert_element_type3A_60 : vector<512x1xi32> to vector<512x1xf32>
    %mul3A_62 = vector.broadcast %convert_element_type3A_61 : vector<512x1xf32> to vector<512x16xf32>
    %mul3A_63 = arith.mulf %convert_element_type3A_36, %mul3A_62 : vector<512x16xf32>
    %gt3A_64 = arith.constant 0.000000e+00 : f32
    %gt3A_65 = vector.broadcast %gt3A_64 : f32 to vector<512x1xf32>
    %gt3A_66 = arith.cmpf ogt, %div3A_27, %gt3A_65 : vector<512x1xf32>
    %convert_element_type3A_67 = arith.extui %gt3A_66 : vector<512x1xi1> to vector<512x1xi32>
    %convert_element_type3A_68 = arith.sitofp %convert_element_type3A_67 : vector<512x1xi32> to vector<512x1xf32>
    %mul3A_69 = vector.broadcast %convert_element_type3A_68 : vector<512x1xf32> to vector<512x16xf32>
    %mul3A_70 = arith.mulf %convert_element_type3A_40, %mul3A_69 : vector<512x16xf32>
    %add3A_71 = arith.addf %mul3A_63, %mul3A_70 : vector<512x16xf32>
    %reduce_sum3A_72 = arith.constant dense<0.000000e+00> : vector<16xf32>
    %reduce_sum3A_73 = vector.multi_reduction <add>, %add3A_71, %reduce_sum3A_72 [0] : vector<512x16xf32> to vector<16xf32>
    %reshape3A_74 = vector.shape_cast %reduce_sum3A_73 : vector<16xf32> to vector<1x1x16xf32>
    %swap3A_75 = arith.constant 0 : index
    %swap3A_76 = arith.constant 0 : index
    %swap3A_77 = arith.constant 0 : index
    %swap3A_78 = vector.load %arg6[%swap3A_75, %swap3A_76, %swap3A_77] : memref<1x1x16xf32, #tpu.memory_space<vmem>>, vector<1x1x16xf32>
    tpu.vector_store %arg6[%swap3A_75, %swap3A_76, %swap3A_77], %reshape3A_74 {strides = array<i32>} : memref<1x1x16xf32, #tpu.memory_space<vmem>>, vector<1x1x16xf32>,
    return
  }
  func.func @transform_0(%arg0: i32) -> (i32, i32) {
    %c0_i32 = arith.constant 0 : i32
    %c0_i32_0 = arith.constant 0 : i32
    return %arg0, %c0_i32 : i32, i32
  }
  func.func @transform_1(%arg0: i32) -> (i32, i32) {
    %c0_i32 = arith.constant 0 : i32
    %c0_i32_0 = arith.constant 0 : i32
    return %arg0, %c0_i32 : i32, i32
  }
  func.func @transform_2(%arg0: i32) -> (i32, i32) {
    %c0_i32 = arith.constant 0 : i32
    %c0_i32_0 = arith.constant 0 : i32
    return %arg0, %c0_i32 : i32, i32
  }
  func.func @transform_3(%arg0: i32) -> (i32, i32, i32) {
    %c0_i32 = arith.constant 0 : i32
    %c0_i32_0 = arith.constant 0 : i32
    %c0_i32_1 = arith.constant 0 : i32
    return %arg0, %c0_i32, %c0_i32_0 : i32, i32, i32
  }
  func.func @transform_4(%arg0: i32) -> (i32, i32, i32) {
    %c0_i32 = arith.constant 0 : i32
    %c0_i32_0 = arith.constant 0 : i32
    %c0_i32_1 = arith.constant 0 : i32
    return %arg0, %c0_i32, %c0_i32_0 : i32, i32, i32
  }
  func.func @transform_5(%arg0: i32) -> (i32, i32, i32) {
    %c0_i32 = arith.constant 0 : i32
    %c0_i32_0 = arith.constant 0 : i32
    %c0_i32_1 = arith.constant 0 : i32
    return %arg0, %c0_i32, %c0_i32_0 : i32, i32, i32
  }
}

module attributes {stable_mosaic.version = 14 : i64} {
  func.func @_pos_body(%arg0: i32, %arg1: memref<512x2xi32, #tpu.memory_space<vmem>>, %arg2: memref<1x1x16xf32, #tpu.memory_space<vmem>>, %arg3: memref<512x2xi32, #tpu.memory_space<vmem>>) attributes {dimension_semantics = [#tpu.dimension_semantics<arbitrary>], iteration_bounds = array<i64: 8>, scalar_prefetch = 0 : i64, scratch_operands = 0 : i64, tpu.core_type = #tpu.core_type<tc>, window_params = [{transform_indices = @transform_0, window_bounds = array<i64: 512, 2>}, {transform_indices = @transform_1, window_bounds = array<i64: 1, 1, 16>}, {transform_indices = @transform_2, window_bounds = array<i64: 512, 2>}]} {
    %get3A = arith.constant 0 : index
    %get3A_0 = arith.constant 0 : index
    %get3A_1 = vector.load %arg1[%get3A, %get3A_0] : memref<512x2xi32, #tpu.memory_space<vmem>>, vector<512x1xi32>
    %get3A_2 = arith.constant 0 : index
    %get3A_3 = arith.constant 1 : index
    %get3A_4 = vector.load %arg1[%get3A_2, %get3A_3] : memref<512x2xi32, #tpu.memory_space<vmem>>, vector<512x1xi32>
    %iota3A = tpu.iota {dimensions = array<i32: 1>} : vector<512x16xi32>
    %eq3A = vector.broadcast %get3A_1 : vector<512x1xi32> to vector<512x16xi32>
    %eq3A_5 = arith.cmpi eq, %iota3A, %eq3A : vector<512x16xi32>
    %convert_element_type3A = arith.extui %eq3A_5 : vector<512x16xi1> to vector<512x16xi32>
    %convert_element_type3A_6 = arith.sitofp %convert_element_type3A : vector<512x16xi32> to vector<512x16xf32>
    %eq3A_7 = vector.broadcast %get3A_4 : vector<512x1xi32> to vector<512x16xi32>
    %eq3A_8 = arith.cmpi eq, %iota3A, %eq3A_7 : vector<512x16xi32>
    %convert_element_type3A_9 = arith.extui %eq3A_8 : vector<512x16xi1> to vector<512x16xi32>
    %convert_element_type3A_10 = arith.sitofp %convert_element_type3A_9 : vector<512x16xi32> to vector<512x16xf32>
    %add3A = arith.addf %convert_element_type3A_6, %convert_element_type3A_10 : vector<512x16xf32>
    %convert_element_type3A_11 = arith.truncf %add3A : vector<512x16xf32> to vector<512x16xbf16>
    %iota3A_12 = tpu.iota {dimensions = array<i32: 0>} : vector<512x512xi32>
    %iota3A_13 = tpu.iota {dimensions = array<i32: 1>} : vector<512x512xi32>
    %lt3A = arith.cmpi slt, %iota3A_13, %iota3A_12 : vector<512x512xi32>
    %convert_element_type3A_14 = arith.extui %lt3A : vector<512x512xi1> to vector<512x512xi32>
    %convert_element_type3A_15 = arith.sitofp %convert_element_type3A_14 : vector<512x512xi32> to vector<512x512xf32>
    %convert_element_type3A_16 = arith.truncf %convert_element_type3A_15 : vector<512x512xf32> to vector<512x512xbf16>
    %dot_general3A = arith.constant dense<0.000000e+00> : vector<512x16xf32>
    %dot_general3A_17 = tpu.matmul %convert_element_type3A_16, %convert_element_type3A_11, %dot_general3A {dimension_numbers = #tpu.dot_dimension_numbers<[1], [0], [0], [1], [0, 0, 1, 1], [], []>, transpose_lhs_hint = false} : vector<512x512xbf16>, vector<512x16xbf16>, vector<512x16xf32> -> vector<512x16xf32>
    %get3A_18 = arith.constant 0 : index
    %get3A_19 = arith.constant 0 : index
    %get3A_20 = arith.constant 0 : index
    %get3A_21 = vector.load %arg2[%get3A_18, %get3A_19, %get3A_20] : memref<1x1x16xf32, #tpu.memory_space<vmem>>, vector<1x1x16xf32>
    %get3A_22 = vector.shape_cast %get3A_21 : vector<1x1x16xf32> to vector<1x16xf32>
    %add3A_23 = vector.broadcast %get3A_22 : vector<1x16xf32> to vector<512x16xf32>
    %add3A_24 = arith.addf %dot_general3A_17, %add3A_23 : vector<512x16xf32>
    %mul3A = arith.mulf %add3A_24, %convert_element_type3A_6 : vector<512x16xf32>
    %reduce_sum3A = arith.constant dense<0.000000e+00> : vector<512xf32>
    %reduce_sum3A_25 = vector.multi_reduction <add>, %mul3A, %reduce_sum3A [1] : vector<512x16xf32> to vector<512xf32>
    %broadcast_in_dim3A = vector.shape_cast %reduce_sum3A_25 : vector<512xf32> to vector<512x1xf32>
    %mul3A_26 = arith.mulf %add3A_24, %convert_element_type3A_10 : vector<512x16xf32>
    %reduce_sum3A_27 = arith.constant dense<0.000000e+00> : vector<512xf32>
    %reduce_sum3A_28 = vector.multi_reduction <add>, %mul3A_26, %reduce_sum3A_27 [1] : vector<512x16xf32> to vector<512xf32>
    %broadcast_in_dim3A_29 = vector.shape_cast %reduce_sum3A_28 : vector<512xf32> to vector<512x1xf32>
    %concatenate3A = tpu.concatenate %broadcast_in_dim3A, %broadcast_in_dim3A_29 in 1 : vector<512x1xf32>, vector<512x1xf32> -> vector<512x2xf32>
    %convert_element_type3A_30 = arith.fptosi %concatenate3A : vector<512x2xf32> to vector<512x2xi32>
    %swap3A = arith.constant 0 : index
    %swap3A_31 = arith.constant 0 : index
    %swap3A_32 = vector.load %arg3[%swap3A, %swap3A_31] : memref<512x2xi32, #tpu.memory_space<vmem>>, vector<512x2xi32>
    tpu.vector_store %arg3[%swap3A, %swap3A_31], %convert_element_type3A_30 {strides = array<i32>} : memref<512x2xi32, #tpu.memory_space<vmem>>, vector<512x2xi32>,
    return
  }
  func.func @transform_0(%arg0: i32) -> (i32, i32) {
    %c0_i32 = arith.constant 0 : i32
    %c0_i32_0 = arith.constant 0 : i32
    return %arg0, %c0_i32 : i32, i32
  }
  func.func @transform_1(%arg0: i32) -> (i32, i32, i32) {
    %c0_i32 = arith.constant 0 : i32
    %c0_i32_0 = arith.constant 0 : i32
    %c0_i32_1 = arith.constant 0 : i32
    return %arg0, %c0_i32, %c0_i32_0 : i32, i32, i32
  }
  func.func @transform_2(%arg0: i32) -> (i32, i32) {
    %c0_i32 = arith.constant 0 : i32
    %c0_i32_0 = arith.constant 0 : i32
    return %arg0, %c0_i32 : i32, i32
  }
}

module attributes {stable_mosaic.version = 14 : i64} {
  func.func @_gmm_body(%arg0: i32, %arg1: memref<32xi32, #tpu.memory_space<smem>>, %arg2: memref<1xi32, #tpu.memory_space<smem>>, %arg3: memref<512x512xi32, #tpu.memory_space<vmem>>, %arg4: memref<1x1024x1024xf32, #tpu.memory_space<vmem>>, %arg5: memref<512x512xi32, #tpu.memory_space<vmem>>) attributes {dimension_semantics = [#tpu.dimension_semantics<arbitrary>], iteration_bounds = array<i64: 32>, scalar_prefetch = 2 : i64, scratch_operands = 0 : i64, tpu.core_type = #tpu.core_type<tc>, window_params = [{transform_indices = @transform_0, window_bounds = array<i64: 512, 512>}, {transform_indices = @transform_1, window_bounds = array<i64: 1, 1024, 1024>}, {transform_indices = @transform_2, window_bounds = array<i64: 512, 512>}]} {
    %get3A = arith.constant 0 : index
    %get3A_0 = memref.load %arg2[%get3A] : memref<1xi32, #tpu.memory_space<smem>>
    %lt3A = arith.cmpi slt, %arg0, %get3A_0 : i32
    %convert_element_type3A = arith.extui %lt3A : i1 to i32
    %cond3A = arith.constant 0 : i32
    %cond3A_1 = arith.cmpi ne, %convert_element_type3A, %cond3A : i32
    scf.if %cond3A_1 {
      %get3A_2 = arith.constant 0 : index
      %get3A_3 = arith.constant 0 : index
      %get3A_4 = vector.load %arg3[%get3A_2, %get3A_3] : memref<512x512xi32, #tpu.memory_space<vmem>>, vector<512x512xi32>
      %shift_left3A = arith.constant 16 : i32
      %shift_left3A_5 = vector.broadcast %shift_left3A : i32 to vector<512x512xi32>
      %shift_left3A_6 = arith.shli %get3A_4, %shift_left3A_5 : vector<512x512xi32>
      %bitcast_convert_type3A = tpu.bitcast %shift_left3A_6 : vector<512x512xi32> -> vector<512x512xf32>
      %and3A = arith.constant -65536 : i32
      %and3A_7 = vector.broadcast %and3A : i32 to vector<512x512xi32>
      %and3A_8 = arith.andi %get3A_4, %and3A_7 : vector<512x512xi32>
      %bitcast_convert_type3A_9 = tpu.bitcast %and3A_8 : vector<512x512xi32> -> vector<512x512xf32>
      %concatenate3A = tpu.concatenate %bitcast_convert_type3A, %bitcast_convert_type3A_9 in 1 : vector<512x512xf32>, vector<512x512xf32> -> vector<512x1024xf32>
      %convert_element_type3A_10 = arith.truncf %concatenate3A : vector<512x1024xf32> to vector<512x1024xbf16>
      %get3A_11 = arith.constant 0 : index
      %get3A_12 = arith.constant 0 : index
      %get3A_13 = arith.constant 0 : index
      %get3A_14 = vector.load %arg4[%get3A_11, %get3A_12, %get3A_13] : memref<1x1024x1024xf32, #tpu.memory_space<vmem>>, vector<1x1024x1024xf32>
      %get3A_15 = vector.shape_cast %get3A_14 : vector<1x1024x1024xf32> to vector<1024x1024xf32>
      %convert_element_type3A_16 = arith.truncf %get3A_15 : vector<1024x1024xf32> to vector<1024x1024xbf16>
      %slice3A = vector.extract_strided_slice %convert_element_type3A_16 {offsets = [0, 0], sizes = [512, 1024], strides = [1, 1]} : vector<1024x1024xbf16> to vector<512x1024xbf16>
      %dot_general3A = arith.constant dense<0.000000e+00> : vector<512x512xf32>
      %dot_general3A_17 = tpu.matmul %convert_element_type3A_10, %slice3A, %dot_general3A {dimension_numbers = #tpu.dot_dimension_numbers<[1], [1], [0], [0], [0, 0, 1, 0], [], []>, transpose_lhs_hint = false} : vector<512x1024xbf16>, vector<512x1024xbf16>, vector<512x512xf32> -> vector<512x512xf32>
      %slice3A_18 = vector.extract_strided_slice %convert_element_type3A_16 {offsets = [512, 0], sizes = [512, 1024], strides = [1, 1]} : vector<1024x1024xbf16> to vector<512x1024xbf16>
      %dot_general3A_19 = arith.constant dense<0.000000e+00> : vector<512x512xf32>
      %dot_general3A_20 = tpu.matmul %convert_element_type3A_10, %slice3A_18, %dot_general3A_19 {dimension_numbers = #tpu.dot_dimension_numbers<[1], [1], [0], [0], [0, 0, 1, 0], [], []>, transpose_lhs_hint = false} : vector<512x1024xbf16>, vector<512x1024xbf16>, vector<512x512xf32> -> vector<512x512xf32>
      %bitcast_convert_type3A_21 = tpu.bitcast %dot_general3A_17 : vector<512x512xf32> -> vector<512x512xi32>
      %bitcast_convert_type3A_22 = tpu.bitcast %dot_general3A_20 : vector<512x512xf32> -> vector<512x512xi32>
      %add3A = arith.constant 32767 : i32
      %add3A_23 = vector.broadcast %add3A : i32 to vector<512x512xi32>
      %add3A_24 = arith.addi %bitcast_convert_type3A_21, %add3A_23 : vector<512x512xi32>
      %shift_right_logical3A = arith.constant 16 : i32
      %shift_right_logical3A_25 = vector.broadcast %shift_right_logical3A : i32 to vector<512x512xi32>
      %shift_right_logical3A_26 = arith.shrui %bitcast_convert_type3A_21, %shift_right_logical3A_25 : vector<512x512xi32>
      %and3A_27 = arith.constant 1 : i32
      %and3A_28 = vector.broadcast %and3A_27 : i32 to vector<512x512xi32>
      %and3A_29 = arith.andi %shift_right_logical3A_26, %and3A_28 : vector<512x512xi32>
      %add3A_30 = arith.addi %add3A_24, %and3A_29 : vector<512x512xi32>
      %shift_right_logical3A_31 = arith.constant 16 : i32
      %shift_right_logical3A_32 = vector.broadcast %shift_right_logical3A_31 : i32 to vector<512x512xi32>
      %shift_right_logical3A_33 = arith.shrui %add3A_30, %shift_right_logical3A_32 : vector<512x512xi32>
      %add3A_34 = arith.constant 32767 : i32
      %add3A_35 = vector.broadcast %add3A_34 : i32 to vector<512x512xi32>
      %add3A_36 = arith.addi %bitcast_convert_type3A_22, %add3A_35 : vector<512x512xi32>
      %shift_right_logical3A_37 = arith.constant 16 : i32
      %shift_right_logical3A_38 = vector.broadcast %shift_right_logical3A_37 : i32 to vector<512x512xi32>
      %shift_right_logical3A_39 = arith.shrui %bitcast_convert_type3A_22, %shift_right_logical3A_38 : vector<512x512xi32>
      %and3A_40 = arith.constant 1 : i32
      %and3A_41 = vector.broadcast %and3A_40 : i32 to vector<512x512xi32>
      %and3A_42 = arith.andi %shift_right_logical3A_39, %and3A_41 : vector<512x512xi32>
      %add3A_43 = arith.addi %add3A_36, %and3A_42 : vector<512x512xi32>
      %and3A_44 = arith.constant -65536 : i32
      %and3A_45 = vector.broadcast %and3A_44 : i32 to vector<512x512xi32>
      %and3A_46 = arith.andi %add3A_43, %and3A_45 : vector<512x512xi32>
      %or3A = arith.ori %shift_right_logical3A_33, %and3A_46 : vector<512x512xi32>
      %swap3A = arith.constant 0 : index
      %swap3A_47 = arith.constant 0 : index
      %swap3A_48 = vector.load %arg5[%swap3A, %swap3A_47] : memref<512x512xi32, #tpu.memory_space<vmem>>, vector<512x512xi32>
      tpu.vector_store %arg5[%swap3A, %swap3A_47], %or3A {strides = array<i32>} : memref<512x512xi32, #tpu.memory_space<vmem>>, vector<512x512xi32>,
    } else {
    }
    return
  }
  func.func @transform_0(%arg0: i32, %arg1: memref<32xi32, #tpu.memory_space<smem>>, %arg2: memref<1xi32, #tpu.memory_space<smem>>) -> (i32, i32) {
    %get3A = arith.constant 0 : index
    %get3A_0 = memref.load %arg2[%get3A] : memref<1xi32, #tpu.memory_space<smem>>
    %sub3A = arith.constant 1 : i32
    %sub3A_1 = arith.subi %get3A_0, %sub3A : i32
    %min3A = arith.minsi %arg0, %sub3A_1 : i32
    %c0_i32 = arith.constant 0 : i32
    %c0_i32_2 = arith.constant 0 : i32
    return %min3A, %c0_i32 : i32, i32
  }
  func.func @transform_1(%arg0: i32, %arg1: memref<32xi32, #tpu.memory_space<smem>>, %arg2: memref<1xi32, #tpu.memory_space<smem>>) -> (i32, i32, i32) {
    %get3A = arith.constant 0 : index
    %get3A_0 = memref.load %arg2[%get3A] : memref<1xi32, #tpu.memory_space<smem>>
    %sub3A = arith.constant 1 : i32
    %sub3A_1 = arith.subi %get3A_0, %sub3A : i32
    %min3A = arith.minsi %arg0, %sub3A_1 : i32
    %get3A_2 = arith.index_cast %min3A : i32 to index
    %get3A_3 = memref.load %arg1[%get3A_2] : memref<32xi32, #tpu.memory_space<smem>>
    %c0_i32 = arith.constant 0 : i32
    %c0_i32_4 = arith.constant 0 : i32
    %c0_i32_5 = arith.constant 0 : i32
    return %get3A_3, %c0_i32, %c0_i32_4 : i32, i32, i32
  }
  func.func @transform_2(%arg0: i32, %arg1: memref<32xi32, #tpu.memory_space<smem>>, %arg2: memref<1xi32, #tpu.memory_space<smem>>) -> (i32, i32) {
    %get3A = arith.constant 0 : index
    %get3A_0 = memref.load %arg2[%get3A] : memref<1xi32, #tpu.memory_space<smem>>
    %sub3A = arith.constant 1 : i32
    %sub3A_1 = arith.subi %get3A_0, %sub3A : i32
    %min3A = arith.minsi %arg0, %sub3A_1 : i32
    %c0_i32 = arith.constant 0 : i32
    %c0_i32_2 = arith.constant 0 : i32
    return %min3A, %c0_i32 : i32, i32
  }
}

module attributes {stable_mosaic.version = 14 : i64} {
  func.func @_comb_body(%arg0: i32, %arg1: memref<1x512x512xi32, #tpu.memory_space<vmem>>, %arg2: memref<1x512x512xi32, #tpu.memory_space<vmem>>, %arg3: memref<512x2xf32, #tpu.memory_space<vmem>>, %arg4: memref<512x2xi32, #tpu.memory_space<vmem>>, %arg5: memref<16x1024xf32, #tpu.memory_space<vmem>>, %arg6: memref<512x1024xf32, #tpu.memory_space<vmem>>) attributes {dimension_semantics = [#tpu.dimension_semantics<arbitrary>], iteration_bounds = array<i64: 8>, scalar_prefetch = 0 : i64, scratch_operands = 0 : i64, tpu.core_type = #tpu.core_type<tc>, window_params = [{transform_indices = @transform_0, window_bounds = array<i64: 1, 512, 512>}, {transform_indices = @transform_1, window_bounds = array<i64: 1, 512, 512>}, {transform_indices = @transform_2, window_bounds = array<i64: 512, 2>}, {transform_indices = @transform_3, window_bounds = array<i64: 512, 2>}, {pipeline_mode = #tpu.pipeline_mode<synchronous>, transform_indices = @transform_4, window_bounds = array<i64: 16, 1024>}, {transform_indices = @transform_5, window_bounds = array<i64: 512, 1024>}]} {
    %get3A = arith.constant 0 : index
    %get3A_0 = arith.constant 0 : index
    %get3A_1 = arith.constant 0 : index
    %get3A_2 = vector.load %arg1[%get3A, %get3A_0, %get3A_1] : memref<1x512x512xi32, #tpu.memory_space<vmem>>, vector<1x512x512xi32>
    %get3A_3 = vector.shape_cast %get3A_2 : vector<1x512x512xi32> to vector<512x512xi32>
    %get3A_4 = arith.constant 0 : index
    %get3A_5 = arith.constant 0 : index
    %get3A_6 = arith.constant 0 : index
    %get3A_7 = vector.load %arg2[%get3A_4, %get3A_5, %get3A_6] : memref<1x512x512xi32, #tpu.memory_space<vmem>>, vector<1x512x512xi32>
    %get3A_8 = vector.shape_cast %get3A_7 : vector<1x512x512xi32> to vector<512x512xi32>
    %get3A_9 = arith.constant 0 : index
    %get3A_10 = arith.constant 0 : index
    %get3A_11 = vector.load %arg3[%get3A_9, %get3A_10] : memref<512x2xf32, #tpu.memory_space<vmem>>, vector<512x1xf32>
    %get3A_12 = arith.constant 0 : index
    %get3A_13 = arith.constant 1 : index
    %get3A_14 = vector.load %arg3[%get3A_12, %get3A_13] : memref<512x2xf32, #tpu.memory_space<vmem>>, vector<512x1xf32>
    %shift_left3A = arith.constant 16 : i32
    %shift_left3A_15 = vector.broadcast %shift_left3A : i32 to vector<512x512xi32>
    %shift_left3A_16 = arith.shli %get3A_3, %shift_left3A_15 : vector<512x512xi32>
    %bitcast_convert_type3A = tpu.bitcast %shift_left3A_16 : vector<512x512xi32> -> vector<512x512xf32>
    %mul3A = vector.broadcast %get3A_11 : vector<512x1xf32> to vector<512x512xf32>
    %mul3A_17 = arith.mulf %mul3A, %bitcast_convert_type3A : vector<512x512xf32>
    %shift_left3A_18 = arith.constant 16 : i32
    %shift_left3A_19 = vector.broadcast %shift_left3A_18 : i32 to vector<512x512xi32>
    %shift_left3A_20 = arith.shli %get3A_8, %shift_left3A_19 : vector<512x512xi32>
    %bitcast_convert_type3A_21 = tpu.bitcast %shift_left3A_20 : vector<512x512xi32> -> vector<512x512xf32>
    %mul3A_22 = vector.broadcast %get3A_14 : vector<512x1xf32> to vector<512x512xf32>
    %mul3A_23 = arith.mulf %mul3A_22, %bitcast_convert_type3A_21 : vector<512x512xf32>
    %add3A = arith.addf %mul3A_17, %mul3A_23 : vector<512x512xf32>
    %and3A = arith.constant -65536 : i32
    %and3A_24 = vector.broadcast %and3A : i32 to vector<512x512xi32>
    %and3A_25 = arith.andi %get3A_3, %and3A_24 : vector<512x512xi32>
    %bitcast_convert_type3A_26 = tpu.bitcast %and3A_25 : vector<512x512xi32> -> vector<512x512xf32>
    %mul3A_27 = vector.broadcast %get3A_11 : vector<512x1xf32> to vector<512x512xf32>
    %mul3A_28 = arith.mulf %mul3A_27, %bitcast_convert_type3A_26 : vector<512x512xf32>
    %and3A_29 = arith.constant -65536 : i32
    %and3A_30 = vector.broadcast %and3A_29 : i32 to vector<512x512xi32>
    %and3A_31 = arith.andi %get3A_8, %and3A_30 : vector<512x512xi32>
    %bitcast_convert_type3A_32 = tpu.bitcast %and3A_31 : vector<512x512xi32> -> vector<512x512xf32>
    %mul3A_33 = vector.broadcast %get3A_14 : vector<512x1xf32> to vector<512x512xf32>
    %mul3A_34 = arith.mulf %mul3A_33, %bitcast_convert_type3A_32 : vector<512x512xf32>
    %add3A_35 = arith.addf %mul3A_28, %mul3A_34 : vector<512x512xf32>
    %iota3A = tpu.iota {dimensions = array<i32: 1>} : vector<512x16xi32>
    %get3A_36 = arith.constant 0 : index
    %get3A_37 = arith.constant 0 : index
    %get3A_38 = vector.load %arg4[%get3A_36, %get3A_37] : memref<512x2xi32, #tpu.memory_space<vmem>>, vector<512x1xi32>
    %eq3A = vector.broadcast %get3A_38 : vector<512x1xi32> to vector<512x16xi32>
    %eq3A_39 = arith.cmpi eq, %iota3A, %eq3A : vector<512x16xi32>
    %convert_element_type3A = arith.extui %eq3A_39 : vector<512x16xi1> to vector<512x16xi32>
    %convert_element_type3A_40 = arith.sitofp %convert_element_type3A : vector<512x16xi32> to vector<512x16xf32>
    %mul3A_41 = vector.broadcast %get3A_11 : vector<512x1xf32> to vector<512x16xf32>
    %mul3A_42 = arith.mulf %convert_element_type3A_40, %mul3A_41 : vector<512x16xf32>
    %get3A_43 = arith.constant 0 : index
    %get3A_44 = arith.constant 1 : index
    %get3A_45 = vector.load %arg4[%get3A_43, %get3A_44] : memref<512x2xi32, #tpu.memory_space<vmem>>, vector<512x1xi32>
    %eq3A_46 = vector.broadcast %get3A_45 : vector<512x1xi32> to vector<512x16xi32>
    %eq3A_47 = arith.cmpi eq, %iota3A, %eq3A_46 : vector<512x16xi32>
    %convert_element_type3A_48 = arith.extui %eq3A_47 : vector<512x16xi1> to vector<512x16xi32>
    %convert_element_type3A_49 = arith.sitofp %convert_element_type3A_48 : vector<512x16xi32> to vector<512x16xf32>
    %mul3A_50 = vector.broadcast %get3A_14 : vector<512x1xf32> to vector<512x16xf32>
    %mul3A_51 = arith.mulf %convert_element_type3A_49, %mul3A_50 : vector<512x16xf32>
    %add3A_52 = arith.addf %mul3A_42, %mul3A_51 : vector<512x16xf32>
    %convert_element_type3A_53 = arith.truncf %add3A_52 : vector<512x16xf32> to vector<512x16xbf16>
    %get3A_54 = arith.constant 0 : index
    %get3A_55 = arith.constant 0 : index
    %get3A_56 = vector.load %arg5[%get3A_54, %get3A_55] : memref<16x1024xf32, #tpu.memory_space<vmem>>, vector<16x1024xf32>
    %convert_element_type3A_57 = arith.truncf %get3A_56 : vector<16x1024xf32> to vector<16x1024xbf16>
    %dot_general3A = arith.constant dense<0.000000e+00> : vector<512x1024xf32>
    %dot_general3A_58 = tpu.matmul %convert_element_type3A_53, %convert_element_type3A_57, %dot_general3A {dimension_numbers = #tpu.dot_dimension_numbers<[1], [0], [0], [1], [0, 0, 1, 1], [], []>, transpose_lhs_hint = false} : vector<512x16xbf16>, vector<16x1024xbf16>, vector<512x1024xf32> -> vector<512x1024xf32>
    %concatenate3A = tpu.concatenate %add3A, %add3A_35 in 1 : vector<512x512xf32>, vector<512x512xf32> -> vector<512x1024xf32>
    %add3A_59 = arith.addf %concatenate3A, %dot_general3A_58 : vector<512x1024xf32>
    %swap3A = arith.constant 0 : index
    %swap3A_60 = arith.constant 0 : index
    %swap3A_61 = vector.load %arg6[%swap3A, %swap3A_60] : memref<512x1024xf32, #tpu.memory_space<vmem>>, vector<512x1024xf32>
    tpu.vector_store %arg6[%swap3A, %swap3A_60], %add3A_59 {strides = array<i32>} : memref<512x1024xf32, #tpu.memory_space<vmem>>, vector<512x1024xf32>,
    return
  }
  func.func @transform_0(%arg0: i32) -> (i32, i32, i32) {
    %c0_i32 = arith.constant 0 : i32
    %c0_i32_0 = arith.constant 0 : i32
    %c0_i32_1 = arith.constant 0 : i32
    return %c0_i32, %arg0, %c0_i32_0 : i32, i32, i32
  }
  func.func @transform_1(%arg0: i32) -> (i32, i32, i32) {
    %c1_i32 = arith.constant 1 : i32
    %c0_i32 = arith.constant 0 : i32
    %c0_i32_0 = arith.constant 0 : i32
    return %c1_i32, %arg0, %c0_i32 : i32, i32, i32
  }
  func.func @transform_2(%arg0: i32) -> (i32, i32) {
    %c0_i32 = arith.constant 0 : i32
    %c0_i32_0 = arith.constant 0 : i32
    return %arg0, %c0_i32 : i32, i32
  }
  func.func @transform_3(%arg0: i32) -> (i32, i32) {
    %c0_i32 = arith.constant 0 : i32
    %c0_i32_0 = arith.constant 0 : i32
    return %arg0, %c0_i32 : i32, i32
  }
  func.func @transform_4(%arg0: i32) -> (i32, i32) {
    %c0_i32 = arith.constant 0 : i32
    %c0_i32_0 = arith.constant 0 : i32
    %c0_i32_1 = arith.constant 0 : i32
    return %c0_i32, %c0_i32_0 : i32, i32
  }
  func.func @transform_5(%arg0: i32) -> (i32, i32) {
    %c0_i32 = arith.constant 0 : i32
    %c0_i32_0 = arith.constant 0 : i32
    return %arg0, %c0_i32 : i32, i32
  }
}

</mosaic_0001>

<sc_bundles>
// kernel: kernel.12.cloned.1.call-start
scs
__scs_entry_jumppad:
0x0: {  	(pc) =	sbr.rel $0x88, $3  }
0x1: {  	(tag) =	ssettag $0x0;
	lr =	simm.s32 $0x1  }
0x2: {  	[smem:$0x3F9D] =	sst lr;
	_ =	strace $0xD0000000  }
0x3: {  	_ = 	snop  }
0x4: {  	_ = 	snop  }
0x5: {  	_ = 	snop  }
0x6: {  	_ = 	snop  }
0x7: {  	_ = 	snop  }
__scs_overlays_trampoline_lowered:
0x8: {  	[smem:$0x3FAC] =	sst s0  }
0x9: {  	[smem:$0x3FAD] =	sst s1  }
0xa: {  	[smem:$0x3FAE] =	sst s2  }
0xb: {  	[smem:$0x3FAF] =	sst s3  }
0xc: {  	[smem:$0x3FB0] =	sst s4  }
0xd: {  	[smem:$0x3FB1] =	sst s5  }
0xe: {  	[smem:$0x3FB2] =	sst s6  }
0xf: {  	[smem:$0x3FB3] =	sst s7  }
0x10: {  	[smem:$0x3FB4] =	sst s8  }
0x11: {  	[smem:$0x3FB5] =	sst s9;
	s0 =	simm.s32 @!p0 $0x0  }
0x12: {  	s1 =	sld [smem:$0x3F9B];
	s0 =	simm.s32 @p0 $0x1  }
0x13: {  	[smem:$0x3FB6] =	sst s0;
	s0 =	simm.s32 @!p1 $0x0  }
0x14: {  	s2 =	sld [smem:$0x3F9A];
	s0 =	simm.s32 @p1 $0x1  }
0x15: {  	[smem:$0x3FB7] =	sst s0;
	s0 =	simm.s32 @!p2 $0x0  }
0x16: {  	s3 =	sld [smem:$0x3FDB];
	s0 =	simm.s32 @p2 $0x1  }
0x17: {  	s4 =	simm.s32 $0x1BF5;
	[smem:$0x3FB9] =	sst s0  }
0x18: {  	s0 =	sld [smem:$0x3F9C];
	_ =	swait.ge [sflag:s4], $0x0  }
0x19: {  	s7 =	sld [smem:$0x3F9D]  }
0x1a: {  	s8 =	sadd.s32 $0xFFFFE003, lr  }
0x1b: {  	s9 =	sadd.s32 $0xFFFFFEF7, lr;
	s5 =	simm.s32 $0xFFFFFFFF;
	p2 =	slt.u32 s8, $0xFFFFF086  }
0x1c: {  	p1 =	slt.u32 s9, $0xF7A;
	s5 =	simm.s32 @!p2 $0x0  }
0x1d: {  	s5 =	simm.s32 @p1 $0x1;
	p0 =	seq.s32 s7, s2  }
0x1e: {  	s7 =	smul.u32 @!p0 $0xF7A, s2;
	p2 =	seq.s32 @!p0 s5, $0x0  }
0x1f: {  	s9 =	smul.u32 $0xF7A, s1;
	s8 =	simm.s32 @!p0 $0x1BF5;
	p2 =	por !p2, p0  }
0x20: {  	[sflag:s8] =	ssyncset.s32 @!p0 $0xFFFFF086;
	s6 =	sadd.s32 @!p0 s3, s7;
	s7 =	simm.s32 @!p0 $0x108  }
0x21: {  	s3 =	sadd.s32 s3, s9;
	s6 =	sadd.s32 @!p0 $0x88, s6;
	s7 =	simm.s32 @p2 $0x1082  }
0x22: {  	[simem:s7], [sflag:s8] =	dma.local @!p0 [hbm:s6], $0xF7A  }
0x23: {  	s9 =	sor.u32 $0xD0000000, s2;
	s6 =	simm.s32 $0x108;
	_ =	swait.ge @!p0 [sflag:s8], $0x0  }
0x24: {  	s3 =	sadd.s32 $0x88, s3;
	s6 =	simm.s32 @!p1 $0x1082;
	[sflag:s4] =	ssyncset.s32 $0xFFFFF086  }
0x25: {  	[simem:s6], [sflag:s4] =	dma.local [hbm:s3], $0xF7A  }
0x26: {  	[smem:$0x3F9D] =	sst s1;
	(tag) =	ssettag s2;
	_ =	strace s9  }
0x27: {  	s1 =	sld [smem:$0x3FAD]  }
0x28: {  	s2 =	sld [smem:$0x3FAE]  }
0x29: {  	s4 =	sld [smem:$0x3FB0]  }
0x2a: {  	p0 =	seq.s32 s5, $0x0;
	s5 =	sld [smem:$0x3FB1]  }
0x2b: {  	s6 =	sld [smem:$0x3FB2]  }
0x2c: {  	s7 =	sld [smem:$0x3FB3]  }
0x2d: {  	s3 =	simm.s32 $0x108;
	s8 =	sld [smem:$0x3FB4]  }
0x2e: {  	s3 =	simm.s32 @!p0 $0x1082;
	s9 =	sld [smem:$0x3FB5]  }
0x2f: {  	lr =	sadd.s32 s0, s3;
	s0 =	sld [smem:$0x3FAC]  }
0x30: {  	s3 =	sld [smem:$0x3FAF]  }
0x31: {  	[smem:$0x3FB8] =	sst s10  }
0x32: {  	s10 =	sld [smem:$0x3FB6];
	_ =	sdelay $0x3  }
0x33: {  	p0 =	seq.s32 s10, $0x1;
	s10 =	sld [smem:$0x3FB8];
	_ =	sdelay $0x3  }
0x34: {  	[smem:$0x3FB8] =	sst s10  }
0x35: {  	s10 =	sld [smem:$0x3FB7];
	_ =	sdelay $0x3  }
0x36: {  	p1 =	seq.s32 s10, $0x1;
	s10 =	sld [smem:$0x3FB8];
	_ =	sdelay $0x3  }
0x37: {  	[smem:$0x3FB8] =	sst s10  }
0x38: {  	s10 =	sld [smem:$0x3FB9]  }
0x39: {  	_ = 	snop;
	(pc) =	sbr.ind lr, $3  }
0x3a: {  	_ = 	snop  }
0x3b: {  	_ = 	snop  }
0x3c: {  	p2 =	seq.s32 s10, $0x1;
	s10 =	sld [smem:$0x3FB8]  }
0x3d: {  	_ =	shalt  }
0x3e: {  	_ =	shalt  }
0x3f: {  	_ =	shalt  }
0x40: {  	_ =	shalt  }
0x41: {  	_ =	shalt  }
0x42: {  	_ =	shalt  }
0x43: {  	_ =	shalt  }
0x44: {  	_ =	shalt  }
0x45: {  	_ =	shalt  }
0x46: {  	_ =	shalt  }
0x47: {  	_ =	shalt  }
0x48: {  	_ =	shalt  }
0x49: {  	_ =	shalt  }
0x4a: {  	_ =	shalt  }
0x4b: {  	_ =	shalt  }
0x4c: {  	_ =	shalt  }
0x4d: {  	_ =	shalt  }
0x4e: {  	_ =	shalt  }
0x4f: {  	_ =	shalt  }
0x50: {  	_ =	shalt  }
0x51: {  	_ =	shalt  }
0x52: {  	_ =	shalt  }
0x53: {  	_ =	shalt  }
0x54: {  	_ =	shalt  }
0x55: {  	_ =	shalt  }
0x56: {  	_ =	shalt  }
0x57: {  	_ =	shalt  }
0x58: {  	_ =	shalt  }
0x59: {  	_ =	shalt  }
0x5a: {  	_ =	shalt  }
0x5b: {  	_ =	shalt  }
0x5c: {  	_ =	shalt  }
0x5d: {  	_ =	shalt  }
0x5e: {  	_ =	shalt  }
0x5f: {  	_ =	shalt  }
0x60: {  	_ =	shalt  }
0x61: {  	_ =	shalt  }
0x62: {  	_ =	shalt  }
0x63: {  	_ =	shalt  }
0x64: {  	_ =	shalt  }
0x65: {  	_ =	shalt  }
0x66: {  	_ =	shalt  }
0x67: {  	_ =	shalt  }
0x68: {  	_ =	shalt  }
0x69: {  	_ =	shalt  }
0x6a: {  	_ =	shalt  }
0x6b: {  	_ =	shalt  }
0x6c: {  	_ =	shalt  }
0x6d: {  	_ =	shalt  }
0x6e: {  	_ =	shalt  }
0x6f: {  	_ =	shalt  }
0x70: {  	_ =	shalt  }
0x71: {  	_ =	shalt  }
0x72: {  	_ =	shalt  }
0x73: {  	_ =	shalt  }
0x74: {  	_ =	shalt  }
0x75: {  	_ =	shalt  }
0x76: {  	_ =	shalt  }
0x77: {  	_ =	shalt  }
0x78: {  	_ =	shalt  }
0x79: {  	_ =	shalt  }
0x7a: {  	_ =	shalt  }
0x7b: {  	_ =	shalt  }
0x7c: {  	_ =	shalt  }
0x7d: {  	_ =	shalt  }
0x7e: {  	_ =	shalt  }
0x7f: {  	_ =	shalt  }
0x80: {  	_ =	shalt  }
0x81: {  	_ =	shalt  }
0x82: {  	_ =	shalt  }
0x83: {  	_ =	shalt  }
0x84: {  	_ =	shalt  }
0x85: {  	_ =	shalt  }
0x86: {  	_ =	shalt  }
0x87: {  	_ =	shalt  }
.Lfunc_end0:
.L_simem_size_0:
called_computation.1_lowered:
.L_overlay_start_0:
0x88: {  	s2 =	sld [smem:$0x3FD9]  }
0x89: {  	s3 =	sld [smem:$0x3FFE];
	_ =	sdelay $0x1  }
0x8a: {  	s1 =	srdreg.scid  }
0x8b: {  	s0 =	sand.u32 $0x1, s1  }
0x8c: {  	s14 =	sshll.u32 s0, $0xA;
	s2 =	sadd.s32 s3, s2  }
0x8d: {  	s2 =	sadd.s32 s2, s14  }
0x8e: {  	[smem:$0x3FC4] =	sst s2  }
0x8f: {  	_ = 	snop  }
0x90: {  	s2 =	sld [smem:$0x3FD0];
	_ =	sdelay $0x2  }
0x91: {  	s15 =	simm.s32 $0xA;
	s4 =	simm.s32 $0x10  }
0x92: {  	[smem:s4], [sflag:s15] =	dma.local [hbm:s2], $0x1  }
0x93: {  	_ =	swait.eq [sflag:s15], $0x1  }
0x94: {  	[sflag:s15] =	ssyncset.done $0x0  }
0x95: {  	[sflag:s15] =	ssyncadd.s32 $0xFFFFFFFF  }
0x96: {  	s16 =	sld [smem:$0x10];
	(tm) =	ssettm $0x1  }
0x97: {  	s17 =	sld [smem:$0x3FFB];
	_ =	sdelay $0x3  }
0x98: {  	_ =	strace s17  }
0x99: {  	s3 =	sld [smem:$0x3FFC];
	_ =	sdelay $0x3  }
0x9a: {  	_ =	strace s3  }
0x9b: {  	s3 =	sld [smem:$0x3FFD];
	_ =	sdelay $0x3  }
0x9c: {  	_ =	strace s3  }
0x9d: {  	_ =	strace $0x8FFFFFFF  }
0x9e: {  	s18 =	sld [smem:$0x3FDB];
	_ =	sdelay $0x1  }
0x9f: {  	s19 =	simm.s32 $_scs_section_size  }
0xa0: {  	s5 =	simm.s32 $_size__tile_overlayer_lowered;
	s6 =	simm.s32 $_tile_overlayer_lowered  }
0xa1: {  	s22 =	simm.s32 $0x1BFF;
	s21 =	sshll.u32 s6, $0x1;
	s3 =	sadd.s32 s19, s18  }
0xa2: {  	s7 =	simm.s32 $0x0;
	s20 =	sshll.u32 s5, $0x1;
	s5 =	sadd.s32 s21, s3  }
0xa3: {  	[timem:s7], [sflag:s22] =	dma.local [hbm:s5], s20  }
0xa4: {  	_ =	swait.ge [sflag:s22], s20  }
0xa5: {  	s4 =	ssub.s32 $0x0, s20;
	[sflag:s22] =	ssyncset.done $0x0  }
0xa6: {  	[sflag:s22] =	ssyncadd.s32 s4;
	_ =	sdelay $0x1  }
0xa7: {  	s23 =	simm.s32 $0x1B8B  }
0xa8: {  	_ =	swait.ge [sflag:s23], $0x1  }
0xa9: {  	[sflag:s23] =	ssyncset.done $0x0  }
0xaa: {  	s25 =	simm.s32 $0x1B8E;
	s24 =	sld [smem:$0x3FFE];
	[sflag:s23] =	ssyncadd.s32 $0xFFFFFFFF  }
0xab: {  	s26 =	simm.s32 $execute0_lowered;
	[smem:$0x3FD2] =	sst s25  }
0xac: {  	s5 =	sshll.u32 s26, $0x1;
	_ =	strace $0x80000049;
	[dreg:$0x1] =	wrdreg $0xFFFFFFFF  }
0xad: {  	s28 =	simm.s32 $_size_execute0_lowered;
	s3 =	sadd.s32 s3, s5;
	[dreg:$0x0] =	wrdreg $0x0  }
0xae: {  	s5 =	sshll.u32 s28, $0x1;
	[dreg:$0x2] =	wrdreg s3  }
0xaf: {  	[dreg:$0x3] =	wrdreg s5  }
0xb0: {  	[dreg:$0x4] =	wrdreg $0xC0  }
0xb1: {  	_ =	task [dreg:s7], $0x5FFFF  }
0xb2: {  	[dreg:$0x1] =	wrdreg $0xFFFFFFFF  }
0xb3: {  	[dreg:$0x0] =	wrdreg $0x60  }
0xb4: {  	[dreg:$0x2] =	wrdreg s24  }
0xb5: {  	[dreg:$0x3] =	wrdreg s16  }
0xb6: {  	[dreg:$0x4] =	wrdreg $0x9  }
0xb7: {  	_ =	task.clear_ibuf [dreg:s7], $0x5FFFF;
	_ =	strace $0x90000049  }
0xb8: {  	s29 =	simm.s32 $0x9;
	_ =	strace $0x8000004B  }
0xb9: {  	_ =	swait.ge [sflag:s29], $0x1  }
0xba: {  	[sflag:s29] =	ssyncadd.s32 $0xFFFFFFFF  }
0xbb: {  	_ =	strace $0x9000004B  }
0xbc: {  	_ =	sfence  }
0xbd: {  	s30 =	sld [smem:$0x0];
	_ =	sdelay $0x2  }
0xbe: {  	s31 =	sshll.u32 s1, $0xD;
	s1 =	sshrl.u32 s1, $0x2  }
0xbf: {  	s3 =	sand.u32 $0x4000, s31;
	s1 =	sadd.s32 s1, s30  }
0xc0: {  	s0 =	sor.u32 s3, s0;
	s1 =	sshll.u32 s1, $0x11  }
0xc1: {  	s0 =	sor.u32 s1, s0  }
0xc2: {  	s0 =	sadd.s32 $0x8F2B, s0  }
0xc3: {  	[sflag:s0] =	ssyncadd.remote.s32 $0x1  }
0xc4: {  	_ =	sfence.sel $0xFFFF  }
0xc5: {  	[dreg:$0x0] =	wrdreg $0xFFFFFFFF;
	(pc) =	sbr.abs _section_cstart, $3  }
0xc6: {  	[dreg:$0x1] =	wrdreg $0xFFFFFFFF  }
0xc7: {  	_ =	task.clear_ibuf [dreg:s7], $0x2FFFF;
	_ =	strace $0x9FFFFFFF  }
0xc8: {  	(tm) =	ssettm $0x7FFFFFFF  }
0xc9: {  	_ =	shalt  }
tec
execute0_lowered:
.L_overlay_start_1:
0x0: {  	(tag) =	ssettag $0x1  }
0x1: {  	s0 =	rddreg [dreg:$0x0]  }
0x2: {  	s1 =	rddreg [dreg:$0x1];
	s3 =	srdreg.scid;
	s2 =	simm.s32 $0x0  }
0x3: {  	s5 =	stileid.u32;
	s9 =	simm.s32 $0x2;
	s17 =	simm.s32 $0x10000  }
0x4: {  	s18 =	simm.s32 $0x800;
	s19 =	simm.s32 $0x1000;
	s20 =	simm.s32 $0x1800  }
0x5: {  	s21 =	simm.s32 $0x2000;
	s22 =	simm.s32 $0x2800;
	s23 =	simm.s32 $0x3000  }
0x6: {  	s28 =	simm.s32 $0x5000;
	s29 =	simm.s32 $0x5800;
	s30 =	simm.s32 $0x6000  }
0x7: {  	s31 =	simm.s32 $0x6800;
	s8 =	simm.s32 $0x8000;
	s10 =	simm.s32 $0x8800  }
0x8: {  	s11 =	simm.s32 $0x9000;
	s12 =	simm.s32 $0xA000;
	s13 =	simm.s32 $0xA800  }
0x9: {  	s14 =	simm.s32 $0xB000;
	s15 =	simm.s32 $0xB800;
	s4 =	sand.u32 $0x1, s3  }
0xa: {  	[smem:$0x7FF] =	sst s2;
	s24 =	sshll.u32 s5, $0x8;
	s3 =	sadd.s32 $0x100600, s0  }
0xb: {  	s25 =	sshll.u32 s4, $0x7;
	_ =	strace $0x8000004A;
	s4 =	ssub.s32 $0x2, s4  }
0xc: {  	s5 =	sor.u32 s25, s24;
	s7 =	sshrl.u32 s4, $0x1;
	s24 =	simm.s32 $0x3800  }
0xd: {  	s25 =	simm.s32 $0x4000;
	s6 =	sshrl.u32 s5, $0x3;
	s5 =	sshll.u32 s5, $0x6  }
0xe: {  	s4 =	ssub.s32 s4, s7;
	s6 =	sadd.s32 s0, s6;
	s1 =	sadd.s32 s1, s5  }
0xf: {  	s7 =	smax.u32 s4, $0x1;
	s5 =	simm.s32 $0x1;
	[dreg:$0x5] =	wrdreg s6  }
0x10: {  	v2 =	vlaneseq.u32;
	s4 =	simm.s32 $0x9800;
	s6 =	sadd.s32 $0x200, s6;
	[dreg:$0x6] =	wrdreg s1  }
0x11: {  	vm0 =	vmmov $0xffff;
	v1 =	vshrl.u32 v2, $0x3;
	s26 =	sadd.s32 $0x40000, s1;
	s1 =	simm.s32 $0x7800;
	[dreg:$0x3] =	wrdreg s6  }
0x12: {  	v0 =	vand.u32 $0x7, v2;
	v2 =	vor.u32 $0x8, v2;
	v1 =	vmul.u32 $0x8, v1;
	s6 =	sadd.s32 $0x100700, s0;
	[dreg:$0x4] =	wrdreg s26;
	s26 =	simm.s32 $0x4800  }
.LBB2_1:
0x13: {  	s16 =	rddreg [dreg:$0x3]  }
0x14: {  	[tilespmem:s17], [sflag:$0x2] =	stream.linear.gather [hbm4b:s16+s2], $0x80, $0x38;
	[tilespmem:$0x10080] =	vst v63  }
0x15: {  	_ =	swait.ge [sflag:s9], $0x80  }
0x16: {  	[sflag:s9] =	ssyncset.done $0x0  }
0x17: {  	[sflag:s9] =	ssyncadd.s32 $0xFFFFFF80  }
0x18: {  	v3 =	vld [tilespmem:$0x10000];
	_ =	sdelay $0x4  }
0x19: {  	v4 =	vshll.u32 v3, $0x2  }
0x1a: {  	v3 =	vand.u32 $0x7, v3;
	v4 =	vand.u32 $0xFFFFFFE0, v4  }
0x1b: {  	v3 =	vor.u32 v3, v4  }
0x1c: {  	v4 =	vperm.xlane v3, v0;
	_ =	sdelay $0x1  }
0x1d: {  	v4 =	vadd.s32 v1, v4;
	_ =	sdelay $0x1  }
0x1e: {  	v3 =	vperm.xlane v3, v2;
	_ =	sdelay $0x1  }
0x1f: {  	v3 =	vadd.s32 v1, v3  }
0x20: {  	[tilespmem:s2], [sflag:$0x1] =	stream.indirect_vreg.gather [hbm4b:s3+s2], $0x80, v4, vm0, $0xb8;
	[tilespmem:$0x10080] =	vst v63  }
0x21: {  	_ = 	snop  }
0x22: {  	[tilespmem:s18], [sflag:$0x1] =	stream.indirect_vreg.gather [hbm4b:s6+s2], $0x80, v4, vm0, $0xb8;
	[tilespmem:$0x10080] =	vst v63  }
0x23: {  	_ = 	snop  }
0x24: {  	[tilespmem:s19], [sflag:$0x1] =	stream.indirect_vreg.gather [hbm4b:s3+s2], $0x80, v3, vm0, $0xb8;
	[tilespmem:$0x10080] =	vst v63  }
0x25: {  	_ = 	snop  }
0x26: {  	[tilespmem:s20], [sflag:$0x1] =	stream.indirect_vreg.gather [hbm4b:s6+s2], $0x80, v3, vm0, $0xb8;
	[tilespmem:$0x10080] =	vst v63  }
0x27: {  	v3 =	vld [tilespmem:$0x10010];
	_ =	sdelay $0x4  }
0x28: {  	v49 =	vshll.u32 v3, $0x2  }
0x29: {  	v3 =	vand.u32 $0x7, v3;
	v4 =	vand.u32 $0xFFFFFFE0, v49  }
0x2a: {  	v3 =	vor.u32 v3, v4  }
0x2b: {  	v4 =	vperm.xlane v3, v0;
	_ =	sdelay $0x1  }
0x2c: {  	v4 =	vadd.s32 v1, v4;
	_ =	sdelay $0x1  }
0x2d: {  	v3 =	vperm.xlane v3, v2;
	_ =	sdelay $0x1  }
0x2e: {  	v3 =	vadd.s32 v1, v3  }
0x2f: {  	[tilespmem:s21], [sflag:$0x1] =	stream.indirect_vreg.gather [hbm4b:s3+s2], $0x80, v4, vm0, $0xb8;
	[tilespmem:$0x10080] =	vst v63  }
0x30: {  	_ = 	snop  }
0x31: {  	[tilespmem:s22], [sflag:$0x1] =	stream.indirect_vreg.gather [hbm4b:s6+s2], $0x80, v4, vm0, $0xb8;
	[tilespmem:$0x10080] =	vst v63  }
0x32: {  	_ = 	snop  }
0x33: {  	[tilespmem:s23], [sflag:$0x1] =	stream.indirect_vreg.gather [hbm4b:s3+s2], $0x80, v3, vm0, $0xb8;
	[tilespmem:$0x10080] =	vst v63  }
0x34: {  	_ = 	snop  }
0x35: {  	[tilespmem:s24], [sflag:$0x1] =	stream.indirect_vreg.gather [hbm4b:s6+s2], $0x80, v3, vm0, $0xb8;
	[tilespmem:$0x10080] =	vst v63  }
0x36: {  	v3 =	vld [tilespmem:$0x10020];
	_ =	sdelay $0x4  }
0x37: {  	v50 =	vshll.u32 v3, $0x2  }
0x38: {  	v3 =	vand.u32 $0x7, v3;
	v4 =	vand.u32 $0xFFFFFFE0, v50  }
0x39: {  	v3 =	vor.u32 v3, v4  }
0x3a: {  	v4 =	vperm.xlane v3, v0;
	_ =	sdelay $0x1  }
0x3b: {  	v4 =	vadd.s32 v1, v4;
	_ =	sdelay $0x1  }
0x3c: {  	v3 =	vperm.xlane v3, v2;
	_ =	sdelay $0x1  }
0x3d: {  	v3 =	vadd.s32 v1, v3  }
0x3e: {  	[tilespmem:s25], [sflag:$0x1] =	stream.indirect_vreg.gather [hbm4b:s3+s2], $0x80, v4, vm0, $0xb8;
	[tilespmem:$0x10080] =	vst v63  }
0x3f: {  	_ = 	snop  }
0x40: {  	[tilespmem:s26], [sflag:$0x1] =	stream.indirect_vreg.gather [hbm4b:s6+s2], $0x80, v4, vm0, $0xb8;
	[tilespmem:$0x10080] =	vst v63  }
0x41: {  	_ = 	snop  }
0x42: {  	[tilespmem:s28], [sflag:$0x1] =	stream.indirect_vreg.gather [hbm4b:s3+s2], $0x80, v3, vm0, $0xb8;
	[tilespmem:$0x10080] =	vst v63  }
0x43: {  	_ = 	snop  }
0x44: {  	[tilespmem:s29], [sflag:$0x1] =	stream.indirect_vreg.gather [hbm4b:s6+s2], $0x80, v3, vm0, $0xb8;
	[tilespmem:$0x10080] =	vst v63  }
0x45: {  	v3 =	vld [tilespmem:$0x10030];
	_ =	sdelay $0x4  }
0x46: {  	v51 =	vshll.u32 v3, $0x2  }
0x47: {  	v3 =	vand.u32 $0x7, v3;
	v4 =	vand.u32 $0xFFFFFFE0, v51  }
0x48: {  	v3 =	vor.u32 v3, v4  }
0x49: {  	v4 =	vperm.xlane v3, v0;
	_ =	sdelay $0x1  }
0x4a: {  	v4 =	vadd.s32 v1, v4;
	_ =	sdelay $0x1  }
0x4b: {  	v3 =	vperm.xlane v3, v2;
	_ =	sdelay $0x1  }
0x4c: {  	v3 =	vadd.s32 v1, v3  }
0x4d: {  	[tilespmem:s30], [sflag:$0x1] =	stream.indirect_vreg.gather [hbm4b:s3+s2], $0x80, v4, vm0, $0xb8;
	[tilespmem:$0x10080] =	vst v63  }
0x4e: {  	_ = 	snop  }
0x4f: {  	[tilespmem:s31], [sflag:$0x1] =	stream.indirect_vreg.gather [hbm4b:s6+s2], $0x80, v4, vm0, $0xb8;
	[tilespmem:$0x10080] =	vst v63  }
0x50: {  	s0 =	simm.s32 $0x7000  }
0x51: {  	[tilespmem:s0], [sflag:$0x1] =	stream.indirect_vreg.gather [hbm4b:s3+s2], $0x80, v3, vm0, $0xb8;
	[tilespmem:$0x10080] =	vst v63  }
0x52: {  	_ = 	snop  }
0x53: {  	[tilespmem:s1], [sflag:$0x1] =	stream.indirect_vreg.gather [hbm4b:s6+s2], $0x80, v3, vm0, $0xb8;
	[tilespmem:$0x10080] =	vst v63  }
0x54: {  	v3 =	vld [tilespmem:$0x10040];
	_ =	sdelay $0x4  }
0x55: {  	v52 =	vshll.u32 v3, $0x2  }
0x56: {  	v3 =	vand.u32 $0x7, v3;
	v4 =	vand.u32 $0xFFFFFFE0, v52  }
0x57: {  	v3 =	vor.u32 v3, v4  }
0x58: {  	v4 =	vperm.xlane v3, v0;
	_ =	sdelay $0x1  }
0x59: {  	v4 =	vadd.s32 v1, v4;
	_ =	sdelay $0x1  }
0x5a: {  	v3 =	vperm.xlane v3, v2;
	_ =	sdelay $0x1  }
0x5b: {  	v3 =	vadd.s32 v1, v3  }
0x5c: {  	[tilespmem:s8], [sflag:$0x1] =	stream.indirect_vreg.gather [hbm4b:s3+s2], $0x80, v4, vm0, $0xb8;
	[tilespmem:$0x10080] =	vst v63  }
0x5d: {  	_ = 	snop  }
0x5e: {  	[tilespmem:s10], [sflag:$0x1] =	stream.indirect_vreg.gather [hbm4b:s6+s2], $0x80, v4, vm0, $0xb8;
	[tilespmem:$0x10080] =	vst v63  }
0x5f: {  	_ = 	snop  }
0x60: {  	[tilespmem:s11], [sflag:$0x1] =	stream.indirect_vreg.gather [hbm4b:s3+s2], $0x80, v3, vm0, $0xb8;
	[tilespmem:$0x10080] =	vst v63  }
0x61: {  	_ = 	snop  }
0x62: {  	[tilespmem:s4], [sflag:$0x1] =	stream.indirect_vreg.gather [hbm4b:s6+s2], $0x80, v3, vm0, $0xb8;
	[tilespmem:$0x10080] =	vst v63  }
0x63: {  	v3 =	vld [tilespmem:$0x10050];
	_ =	sdelay $0x4  }
0x64: {  	v53 =	vshll.u32 v3, $0x2  }
0x65: {  	v3 =	vand.u32 $0x7, v3;
	v4 =	vand.u32 $0xFFFFFFE0, v53  }
0x66: {  	v3 =	vor.u32 v3, v4  }
0x67: {  	v4 =	vperm.xlane v3, v0;
	_ =	sdelay $0x1  }
0x68: {  	v4 =	vadd.s32 v1, v4;
	_ =	sdelay $0x1  }
0x69: {  	v3 =	vperm.xlane v3, v2;
	_ =	sdelay $0x1  }
0x6a: {  	v3 =	vadd.s32 v1, v3  }
0x6b: {  	[tilespmem:s12], [sflag:$0x1] =	stream.indirect_vreg.gather [hbm4b:s3+s2], $0x80, v4, vm0, $0xb8;
	[tilespmem:$0x10080] =	vst v63  }
0x6c: {  	_ = 	snop  }
0x6d: {  	[tilespmem:s13], [sflag:$0x1] =	stream.indirect_vreg.gather [hbm4b:s6+s2], $0x80, v4, vm0, $0xb8;
	[tilespmem:$0x10080] =	vst v63  }
0x6e: {  	_ = 	snop  }
0x6f: {  	[tilespmem:s14], [sflag:$0x1] =	stream.indirect_vreg.gather [hbm4b:s3+s2], $0x80, v3, vm0, $0xb8;
	[tilespmem:$0x10080] =	vst v63  }
0x70: {  	_ = 	snop  }
0x71: {  	[tilespmem:s15], [sflag:$0x1] =	stream.indirect_vreg.gather [hbm4b:s6+s2], $0x80, v3, vm0, $0xb8;
	[tilespmem:$0x10080] =	vst v63  }
0x72: {  	v3 =	vld [tilespmem:$0x10060];
	_ =	sdelay $0x4  }
0x73: {  	v54 =	vshll.u32 v3, $0x2  }
0x74: {  	v3 =	vand.u32 $0x7, v3;
	v4 =	vand.u32 $0xFFFFFFE0, v54  }
0x75: {  	v3 =	vor.u32 v3, v4  }
0x76: {  	v4 =	vperm.xlane v3, v0;
	_ =	sdelay $0x1  }
0x77: {  	v4 =	vadd.s32 v1, v4;
	_ =	sdelay $0x1  }
0x78: {  	v3 =	vperm.xlane v3, v2;
	_ =	sdelay $0x1  }
0x79: {  	s16 =	simm.s32 $0xC000;
	v3 =	vadd.s32 v1, v3  }
0x7a: {  	[tilespmem:s16], [sflag:$0x1] =	stream.indirect_vreg.gather [hbm4b:s3+s2], $0x80, v4, vm0, $0xb8;
	[tilespmem:$0x10080] =	vst v63  }
0x7b: {  	s16 =	simm.s32 $0xC800  }
0x7c: {  	[tilespmem:s16], [sflag:$0x1] =	stream.indirect_vreg.gather [hbm4b:s6+s2], $0x80, v4, vm0, $0xb8;
	[tilespmem:$0x10080] =	vst v63  }
0x7d: {  	s16 =	simm.s32 $0xD000  }
0x7e: {  	[tilespmem:s16], [sflag:$0x1] =	stream.indirect_vreg.gather [hbm4b:s3+s2], $0x80, v3, vm0, $0xb8;
	[tilespmem:$0x10080] =	vst v63  }
0x7f: {  	s16 =	simm.s32 $0xD800  }
0x80: {  	[tilespmem:s16], [sflag:$0x1] =	stream.indirect_vreg.gather [hbm4b:s6+s2], $0x80, v3, vm0, $0xb8;
	[tilespmem:$0x10080] =	vst v63  }
0x81: {  	v3 =	vld [tilespmem:$0x10070];
	_ =	sdelay $0x4  }
0x82: {  	v55 =	vshll.u32 v3, $0x2  }
0x83: {  	v3 =	vand.u32 $0x7, v3;
	v4 =	vand.u32 $0xFFFFFFE0, v55  }
0x84: {  	v3 =	vor.u32 v3, v4  }
0x85: {  	v4 =	vperm.xlane v3, v0;
	_ =	sdelay $0x1  }
0x86: {  	v4 =	vadd.s32 v1, v4;
	_ =	sdelay $0x1  }
0x87: {  	v3 =	vperm.xlane v3, v2;
	_ =	sdelay $0x1  }
0x88: {  	s16 =	simm.s32 $0xE000;
	v3 =	vadd.s32 v1, v3  }
0x89: {  	[tilespmem:s16], [sflag:$0x1] =	stream.indirect_vreg.gather [hbm4b:s3+s2], $0x80, v4, vm0, $0xb8;
	[tilespmem:$0x10080] =	vst v63  }
0x8a: {  	s16 =	simm.s32 $0xE800  }
0x8b: {  	[tilespmem:s16], [sflag:$0x1] =	stream.indirect_vreg.gather [hbm4b:s6+s2], $0x80, v4, vm0, $0xb8;
	[tilespmem:$0x10080] =	vst v63  }
0x8c: {  	s16 =	simm.s32 $0xF000  }
0x8d: {  	[tilespmem:s16], [sflag:$0x1] =	stream.indirect_vreg.gather [hbm4b:s3+s2], $0x80, v3, vm0, $0xb8;
	[tilespmem:$0x10080] =	vst v63  }
0x8e: {  	s16 =	simm.s32 $0xF800  }
0x8f: {  	[tilespmem:s16], [sflag:$0x1] =	stream.indirect_vreg.gather [hbm4b:s6+s2], $0x80, v3, vm0, $0xb8;
	[tilespmem:$0x10080] =	vst v63  }
0x90: {  	_ =	swait.ge [sflag:s5], $0x10000  }
0x91: {  	[sflag:s5] =	ssyncset.done $0x0  }
0x92: {  	s16 =	rddreg [dreg:$0x6];
	[sflag:s5] =	ssyncadd.s32 $0xFFFF0000  }
0x93: {  	[hbm4b:s16+s2] =	stream.linear.scatter [tilespmem:s2], [sflag:$0x2], $0x10000, $0x38;
	[tilespmem:$0x10080] =	vst v63  }
0x94: {  	_ =	swait.ge [sflag:s9], $0x10000  }
0x95: {  	[sflag:s9] =	ssyncset.done $0x0  }
0x96: {  	s16 =	rddreg [dreg:$0x5];
	[sflag:s9] =	ssyncadd.s32 $0xFFFF0000  }
0x97: {  	[tilespmem:s17], [sflag:$0x2] =	stream.linear.gather [hbm4b:s16+s2], $0x80, $0x38;
	[tilespmem:$0x10080] =	vst v63  }
0x98: {  	_ =	swait.ge [sflag:s9], $0x80  }
0x99: {  	[sflag:s9] =	ssyncset.done $0x0  }
0x9a: {  	[sflag:s9] =	ssyncadd.s32 $0xFFFFFF80  }
0x9b: {  	v3 =	vld [tilespmem:$0x10000];
	_ =	sdelay $0x4  }
0x9c: {  	v56 =	vshll.u32 v3, $0x2  }
0x9d: {  	v3 =	vand.u32 $0x7, v3;
	v4 =	vand.u32 $0xFFFFFFE0, v56  }
0x9e: {  	v3 =	vor.u32 v3, v4  }
0x9f: {  	v4 =	vperm.xlane v3, v0;
	_ =	sdelay $0x1  }
0xa0: {  	v4 =	vadd.s32 v1, v4;
	_ =	sdelay $0x1  }
0xa1: {  	v3 =	vperm.xlane v3, v2;
	_ =	sdelay $0x1  }
0xa2: {  	v3 =	vadd.s32 v1, v3  }
0xa3: {  	[tilespmem:s2], [sflag:$0x1] =	stream.indirect_vreg.gather [hbm4b:s3+s2], $0x80, v4, vm0, $0xb8;
	[tilespmem:$0x10080] =	vst v63  }
0xa4: {  	_ = 	snop  }
0xa5: {  	[tilespmem:s18], [sflag:$0x1] =	stream.indirect_vreg.gather [hbm4b:s6+s2], $0x80, v4, vm0, $0xb8;
	[tilespmem:$0x10080] =	vst v63  }
0xa6: {  	_ = 	snop  }
0xa7: {  	[tilespmem:s19], [sflag:$0x1] =	stream.indirect_vreg.gather [hbm4b:s3+s2], $0x80, v3, vm0, $0xb8;
	[tilespmem:$0x10080] =	vst v63  }
0xa8: {  	_ = 	snop  }
0xa9: {  	[tilespmem:s20], [sflag:$0x1] =	stream.indirect_vreg.gather [hbm4b:s6+s2], $0x80, v3, vm0, $0xb8;
	[tilespmem:$0x10080] =	vst v63  }
0xaa: {  	v3 =	vld [tilespmem:$0x10010];
	_ =	sdelay $0x4  }
0xab: {  	v57 =	vshll.u32 v3, $0x2  }
0xac: {  	v3 =	vand.u32 $0x7, v3;
	v4 =	vand.u32 $0xFFFFFFE0, v57  }
0xad: {  	v3 =	vor.u32 v3, v4  }
0xae: {  	v4 =	vperm.xlane v3, v0;
	_ =	sdelay $0x1  }
0xaf: {  	v4 =	vadd.s32 v1, v4;
	_ =	sdelay $0x1  }
0xb0: {  	v3 =	vperm.xlane v3, v2;
	_ =	sdelay $0x1  }
0xb1: {  	v3 =	vadd.s32 v1, v3  }
0xb2: {  	[tilespmem:s21], [sflag:$0x1] =	stream.indirect_vreg.gather [hbm4b:s3+s2], $0x80, v4, vm0, $0xb8;
	[tilespmem:$0x10080] =	vst v63  }
0xb3: {  	_ = 	snop  }
0xb4: {  	[tilespmem:s22], [sflag:$0x1] =	stream.indirect_vreg.gather [hbm4b:s6+s2], $0x80, v4, vm0, $0xb8;
	[tilespmem:$0x10080] =	vst v63  }
0xb5: {  	_ = 	snop  }
0xb6: {  	[tilespmem:s23], [sflag:$0x1] =	stream.indirect_vreg.gather [hbm4b:s3+s2], $0x80, v3, vm0, $0xb8;
	[tilespmem:$0x10080] =	vst v63  }
0xb7: {  	_ = 	snop  }
0xb8: {  	[tilespmem:s24], [sflag:$0x1] =	stream.indirect_vreg.gather [hbm4b:s6+s2], $0x80, v3, vm0, $0xb8;
	[tilespmem:$0x10080] =	vst v63  }
0xb9: {  	v3 =	vld [tilespmem:$0x10020];
	_ =	sdelay $0x4  }
0xba: {  	v58 =	vshll.u32 v3, $0x2  }
0xbb: {  	v3 =	vand.u32 $0x7, v3;
	v4 =	vand.u32 $0xFFFFFFE0, v58  }
0xbc: {  	v3 =	vor.u32 v3, v4  }
0xbd: {  	v4 =	vperm.xlane v3, v0;
	_ =	sdelay $0x1  }
0xbe: {  	v4 =	vadd.s32 v1, v4;
	_ =	sdelay $0x1  }
0xbf: {  	v3 =	vperm.xlane v3, v2;
	_ =	sdelay $0x1  }
0xc0: {  	v3 =	vadd.s32 v1, v3  }
0xc1: {  	[tilespmem:s25], [sflag:$0x1] =	stream.indirect_vreg.gather [hbm4b:s3+s2], $0x80, v4, vm0, $0xb8;
	[tilespmem:$0x10080] =	vst v63  }
0xc2: {  	_ = 	snop  }
0xc3: {  	[tilespmem:s26], [sflag:$0x1] =	stream.indirect_vreg.gather [hbm4b:s6+s2], $0x80, v4, vm0, $0xb8;
	[tilespmem:$0x10080] =	vst v63  }
0xc4: {  	_ = 	snop  }
0xc5: {  	[tilespmem:s28], [sflag:$0x1] =	stream.indirect_vreg.gather [hbm4b:s3+s2], $0x80, v3, vm0, $0xb8;
	[tilespmem:$0x10080] =	vst v63  }
0xc6: {  	_ = 	snop  }
0xc7: {  	[tilespmem:s29], [sflag:$0x1] =	stream.indirect_vreg.gather [hbm4b:s6+s2], $0x80, v3, vm0, $0xb8;
	[tilespmem:$0x10080] =	vst v63  }
0xc8: {  	v3 =	vld [tilespmem:$0x10030];
	_ =	sdelay $0x4  }
0xc9: {  	v59 =	vshll.u32 v3, $0x2  }
0xca: {  	v3 =	vand.u32 $0x7, v3;
	v4 =	vand.u32 $0xFFFFFFE0, v59  }
0xcb: {  	v3 =	vor.u32 v3, v4  }
0xcc: {  	v4 =	vperm.xlane v3, v0;
	_ =	sdelay $0x1  }
0xcd: {  	v4 =	vadd.s32 v1, v4;
	_ =	sdelay $0x1  }
0xce: {  	v3 =	vperm.xlane v3, v2;
	_ =	sdelay $0x1  }
0xcf: {  	v3 =	vadd.s32 v1, v3  }
0xd0: {  	[tilespmem:s30], [sflag:$0x1] =	stream.indirect_vreg.gather [hbm4b:s3+s2], $0x80, v4, vm0, $0xb8;
	[tilespmem:$0x10080] =	vst v63  }
0xd1: {  	_ = 	snop  }
0xd2: {  	[tilespmem:s31], [sflag:$0x1] =	stream.indirect_vreg.gather [hbm4b:s6+s2], $0x80, v4, vm0, $0xb8;
	[tilespmem:$0x10080] =	vst v63  }
0xd3: {  	_ = 	snop  }
0xd4: {  	[tilespmem:s0], [sflag:$0x1] =	stream.indirect_vreg.gather [hbm4b:s3+s2], $0x80, v3, vm0, $0xb8;
	[tilespmem:$0x10080] =	vst v63  }
0xd5: {  	_ = 	snop  }
0xd6: {  	[tilespmem:s1], [sflag:$0x1] =	stream.indirect_vreg.gather [hbm4b:s6+s2], $0x80, v3, vm0, $0xb8;
	[tilespmem:$0x10080] =	vst v63  }
0xd7: {  	v3 =	vld [tilespmem:$0x10040];
	_ =	sdelay $0x4  }
0xd8: {  	v60 =	vshll.u32 v3, $0x2  }
0xd9: {  	v3 =	vand.u32 $0x7, v3;
	v4 =	vand.u32 $0xFFFFFFE0, v60  }
0xda: {  	v3 =	vor.u32 v3, v4  }
0xdb: {  	v4 =	vperm.xlane v3, v0;
	_ =	sdelay $0x1  }
0xdc: {  	v4 =	vadd.s32 v1, v4;
	_ =	sdelay $0x1  }
0xdd: {  	v3 =	vperm.xlane v3, v2;
	_ =	sdelay $0x1  }
0xde: {  	v3 =	vadd.s32 v1, v3  }
0xdf: {  	[tilespmem:s8], [sflag:$0x1] =	stream.indirect_vreg.gather [hbm4b:s3+s2], $0x80, v4, vm0, $0xb8;
	[tilespmem:$0x10080] =	vst v63  }
0xe0: {  	_ = 	snop  }
0xe1: {  	[tilespmem:s10], [sflag:$0x1] =	stream.indirect_vreg.gather [hbm4b:s6+s2], $0x80, v4, vm0, $0xb8;
	[tilespmem:$0x10080] =	vst v63  }
0xe2: {  	_ = 	snop  }
0xe3: {  	[tilespmem:s11], [sflag:$0x1] =	stream.indirect_vreg.gather [hbm4b:s3+s2], $0x80, v3, vm0, $0xb8;
	[tilespmem:$0x10080] =	vst v63  }
0xe4: {  	_ = 	snop  }
0xe5: {  	[tilespmem:s4], [sflag:$0x1] =	stream.indirect_vreg.gather [hbm4b:s6+s2], $0x80, v3, vm0, $0xb8;
	[tilespmem:$0x10080] =	vst v63  }
0xe6: {  	v3 =	vld [tilespmem:$0x10050];
	_ =	sdelay $0x4  }
0xe7: {  	v61 =	vshll.u32 v3, $0x2  }
0xe8: {  	v3 =	vand.u32 $0x7, v3;
	v4 =	vand.u32 $0xFFFFFFE0, v61  }
0xe9: {  	v3 =	vor.u32 v3, v4  }
0xea: {  	v4 =	vperm.xlane v3, v0;
	_ =	sdelay $0x1  }
0xeb: {  	v4 =	vadd.s32 v1, v4;
	_ =	sdelay $0x1  }
0xec: {  	v3 =	vperm.xlane v3, v2;
	_ =	sdelay $0x1  }
0xed: {  	v3 =	vadd.s32 v1, v3  }
0xee: {  	[tilespmem:s12], [sflag:$0x1] =	stream.indirect_vreg.gather [hbm4b:s3+s2], $0x80, v4, vm0, $0xb8;
	[tilespmem:$0x10080] =	vst v63  }
0xef: {  	_ = 	snop  }
0xf0: {  	[tilespmem:s13], [sflag:$0x1] =	stream.indirect_vreg.gather [hbm4b:s6+s2], $0x80, v4, vm0, $0xb8;
	[tilespmem:$0x10080] =	vst v63  }
0xf1: {  	_ = 	snop  }
0xf2: {  	[tilespmem:s14], [sflag:$0x1] =	stream.indirect_vreg.gather [hbm4b:s3+s2], $0x80, v3, vm0, $0xb8;
	[tilespmem:$0x10080] =	vst v63  }
0xf3: {  	_ = 	snop  }
0xf4: {  	[tilespmem:s15], [sflag:$0x1] =	stream.indirect_vreg.gather [hbm4b:s6+s2], $0x80, v3, vm0, $0xb8;
	[tilespmem:$0x10080] =	vst v63  }
0xf5: {  	v3 =	vld [tilespmem:$0x10060];
	_ =	sdelay $0x4  }
0xf6: {  	v62 =	vshll.u32 v3, $0x2  }
0xf7: {  	v3 =	vand.u32 $0x7, v3;
	v4 =	vand.u32 $0xFFFFFFE0, v62  }
0xf8: {  	v3 =	vor.u32 v3, v4  }
0xf9: {  	v4 =	vperm.xlane v3, v0;
	_ =	sdelay $0x1  }
0xfa: {  	v4 =	vadd.s32 v1, v4;
	_ =	sdelay $0x1  }
0xfb: {  	v3 =	vperm.xlane v3, v2;
	_ =	sdelay $0x1  }
0xfc: {  	s16 =	simm.s32 $0xC000;
	v3 =	vadd.s32 v1, v3  }
0xfd: {  	[tilespmem:s16], [sflag:$0x1] =	stream.indirect_vreg.gather [hbm4b:s3+s2], $0x80, v4, vm0, $0xb8;
	[tilespmem:$0x10080] =	vst v63  }
0xfe: {  	s16 =	simm.s32 $0xC800  }
0xff: {  	[tilespmem:s16], [sflag:$0x1] =	stream.indirect_vreg.gather [hbm4b:s6+s2], $0x80, v4, vm0, $0xb8;
	[tilespmem:$0x10080] =	vst v63  }
0x100: {  	s16 =	simm.s32 $0xD000  }
0x101: {  	[tilespmem:s16], [sflag:$0x1] =	stream.indirect_vreg.gather [hbm4b:s3+s2], $0x80, v3, vm0, $0xb8;
	[tilespmem:$0x10080] =	vst v63  }
0x102: {  	s16 =	simm.s32 $0xD800  }
0x103: {  	[tilespmem:s16], [sflag:$0x1] =	stream.indirect_vreg.gather [hbm4b:s6+s2], $0x80, v3, vm0, $0xb8;
	[tilespmem:$0x10080] =	vst v63  }
0x104: {  	v3 =	vld [tilespmem:$0x10070];
	_ =	sdelay $0x4  }
0x105: {  	v63 =	vshll.u32 v3, $0x2  }
0x106: {  	v3 =	vand.u32 $0x7, v3;
	v4 =	vand.u32 $0xFFFFFFE0, v63  }
0x107: {  	v3 =	vor.u32 v3, v4  }
0x108: {  	v4 =	vperm.xlane v3, v0;
	_ =	sdelay $0x1  }
0x109: {  	v4 =	vadd.s32 v1, v4;
	_ =	sdelay $0x1  }
0x10a: {  	v3 =	vperm.xlane v3, v2;
	_ =	sdelay $0x1  }
0x10b: {  	s16 =	simm.s32 $0xE000;
	v3 =	vadd.s32 v1, v3  }
0x10c: {  	[tilespmem:s16], [sflag:$0x1] =	stream.indirect_vreg.gather [hbm4b:s3+s2], $0x80, v4, vm0, $0xb8;
	[tilespmem:$0x10080] =	vst v63  }
0x10d: {  	s16 =	simm.s32 $0xE800  }
0x10e: {  	[tilespmem:s16], [sflag:$0x1] =	stream.indirect_vreg.gather [hbm4b:s6+s2], $0x80, v4, vm0, $0xb8;
	[tilespmem:$0x10080] =	vst v63  }
0x10f: {  	s16 =	simm.s32 $0xF000  }
0x110: {  	[tilespmem:s16], [sflag:$0x1] =	stream.indirect_vreg.gather [hbm4b:s3+s2], $0x80, v3, vm0, $0xb8;
	[tilespmem:$0x10080] =	vst v63  }
0x111: {  	s16 =	simm.s32 $0xF800  }
0x112: {  	[tilespmem:s16], [sflag:$0x1] =	stream.indirect_vreg.gather [hbm4b:s6+s2], $0x80, v3, vm0, $0xb8;
	[tilespmem:$0x10080] =	vst v63  }
0x113: {  	_ =	swait.ge [sflag:s5], $0x10000  }
0x114: {  	p0 =	sne.s32 s7, $0x1;
	[sflag:s5] =	ssyncset.done $0x0  }
.Ltmp0:
0x115: {  	s0 =	rddreg [dreg:$0x4];
	[sflag:s5] =	ssyncadd.s32 $0xFFFF0000;
	(pc) =	sbr.rel @p0 .LBB2_1-.Ltmp0, $4  }
0x116: {  	[hbm4b:s0+s2] =	stream.linear.scatter [tilespmem:s2], [sflag:$0x2], $0x10000, $0x38;
	[tilespmem:$0x10080] =	vst v63  }
0x117: {  	_ =	swait.ge [sflag:s9], $0x10000  }
0x118: {  	[sflag:s9] =	ssyncset.done $0x0  }
0x119: {  	s7 =	sadd.s32 $0xFFFFFFFF, s7;
	[sflag:s9] =	ssyncadd.s32 $0xFFFF0000  }
0x11a: {  	_ =	sfence.sel $0x180000  }
0x11b: {  	[bflag:$0x0] =	sbarrier.arrive $0xFFFF  }
0x11c: {  	_ =	strace $0x9000004A  }
0x11d: {  	s0 =	stileid.u32;
	[bflag:$0x2] =	sbarrier.arrive $0xFFFF  }
0x11e: {  	p0 =	sne.s32 s0, $0x0;
	s0 =	rddreg [dreg:$0x2]  }
0x11f: {  	s0 =	sadd.s32 @!p0 $0x100000, s0  }
0x120: {  	[sflag:s0] =	ssyncadd.tile.s32 @!p0 $0x1;
	_ =	shalt  }
.Lfunc_end2:
_tile_overlayer_lowered:
.L_overlay_start_2:
0x121: {  	(tag) =	ssettag $0x2  }
0x122: {  	s0 =	rddreg [dreg:$0x0];
	s2 =	stileid.u32  }
0x123: {  	s1 =	rddreg [dreg:$0x1];
	p0 =	sne.s32 s2, $0x0  }
0x124: {  	s3 =	rddreg [dreg:$0x2];
	[bflag:$0x3] =	sbarrier.arrive $0xFFFF;
	s2 =	simm.s32 @!p0 $0x1C02  }
0x125: {  	[timem:s3], [sflag:s2] =	dma.local @!p0 [hbm:s0], s1  }
0x126: {  	s0 =	simm.s32 @!p0 $0x2  }
0x127: {  	_ =	swait.ge @!p0 [sflag:s0], s1  }
0x128: {  	s1 =	ssub.s32 @!p0 $0x0, s1;
	[sflag:s0] =	ssyncset.done @!p0 $0x0  }
0x129: {  	[sflag:s0] =	ssyncadd.s32 @!p0 s1  }
0x12a: {  	[bflag:$0x3] =	sbarrier.arrive $0xFFFF  }
0x12b: {  	_ =	shalt  }

// kernel: kernel.9.cloned.1.call-start
scs
__scs_entry_jumppad:
0x0: {  	(pc) =	sbr.rel $0x88, $3  }
0x1: {  	(tag) =	ssettag $0x0;
	lr =	simm.s32 $0x1  }
0x2: {  	[smem:$0x3F9D] =	sst lr;
	_ =	strace $0xD0000000  }
0x3: {  	_ = 	snop  }
0x4: {  	_ = 	snop  }
0x5: {  	_ = 	snop  }
0x6: {  	_ = 	snop  }
0x7: {  	_ = 	snop  }
__scs_overlays_trampoline_lowered:
0x8: {  	[smem:$0x3FAC] =	sst s0  }
0x9: {  	[smem:$0x3FAD] =	sst s1  }
0xa: {  	[smem:$0x3FAE] =	sst s2  }
0xb: {  	[smem:$0x3FAF] =	sst s3  }
0xc: {  	[smem:$0x3FB0] =	sst s4  }
0xd: {  	[smem:$0x3FB1] =	sst s5  }
0xe: {  	[smem:$0x3FB2] =	sst s6  }
0xf: {  	[smem:$0x3FB3] =	sst s7  }
0x10: {  	[smem:$0x3FB4] =	sst s8  }
0x11: {  	[smem:$0x3FB5] =	sst s9;
	s0 =	simm.s32 @!p0 $0x0  }
0x12: {  	s1 =	sld [smem:$0x3F9B];
	s0 =	simm.s32 @p0 $0x1  }
0x13: {  	[smem:$0x3FB6] =	sst s0;
	s0 =	simm.s32 @!p1 $0x0  }
0x14: {  	s2 =	sld [smem:$0x3F9A];
	s0 =	simm.s32 @p1 $0x1  }
0x15: {  	[smem:$0x3FB7] =	sst s0;
	s0 =	simm.s32 @!p2 $0x0  }
0x16: {  	s3 =	sld [smem:$0x3FDB];
	s0 =	simm.s32 @p2 $0x1  }
0x17: {  	s4 =	simm.s32 $0x1BF5;
	[smem:$0x3FB9] =	sst s0  }
0x18: {  	s0 =	sld [smem:$0x3F9C];
	_ =	swait.ge [sflag:s4], $0x0  }
0x19: {  	s7 =	sld [smem:$0x3F9D]  }
0x1a: {  	s8 =	sadd.s32 $0xFFFFE003, lr  }
0x1b: {  	s9 =	sadd.s32 $0xFFFFFEF7, lr;
	s5 =	simm.s32 $0xFFFFFFFF;
	p2 =	slt.u32 s8, $0xFFFFF086  }
0x1c: {  	p1 =	slt.u32 s9, $0xF7A;
	s5 =	simm.s32 @!p2 $0x0  }
0x1d: {  	s5 =	simm.s32 @p1 $0x1;
	p0 =	seq.s32 s7, s2  }
0x1e: {  	s7 =	smul.u32 @!p0 $0xF7A, s2;
	p2 =	seq.s32 @!p0 s5, $0x0  }
0x1f: {  	s9 =	smul.u32 $0xF7A, s1;
	s8 =	simm.s32 @!p0 $0x1BF5;
	p2 =	por !p2, p0  }
0x20: {  	[sflag:s8] =	ssyncset.s32 @!p0 $0xFFFFF086;
	s6 =	sadd.s32 @!p0 s3, s7;
	s7 =	simm.s32 @!p0 $0x108  }
0x21: {  	s3 =	sadd.s32 s3, s9;
	s6 =	sadd.s32 @!p0 $0x88, s6;
	s7 =	simm.s32 @p2 $0x1082  }
0x22: {  	[simem:s7], [sflag:s8] =	dma.local @!p0 [hbm:s6], $0xF7A  }
0x23: {  	s9 =	sor.u32 $0xD0000000, s2;
	s6 =	simm.s32 $0x108;
	_ =	swait.ge @!p0 [sflag:s8], $0x0  }
0x24: {  	s3 =	sadd.s32 $0x88, s3;
	s6 =	simm.s32 @!p1 $0x1082;
	[sflag:s4] =	ssyncset.s32 $0xFFFFF086  }
0x25: {  	[simem:s6], [sflag:s4] =	dma.local [hbm:s3], $0xF7A  }
0x26: {  	[smem:$0x3F9D] =	sst s1;
	(tag) =	ssettag s2;
	_ =	strace s9  }
0x27: {  	s1 =	sld [smem:$0x3FAD]  }
0x28: {  	s2 =	sld [smem:$0x3FAE]  }
0x29: {  	s4 =	sld [smem:$0x3FB0]  }
0x2a: {  	p0 =	seq.s32 s5, $0x0;
	s5 =	sld [smem:$0x3FB1]  }
0x2b: {  	s6 =	sld [smem:$0x3FB2]  }
0x2c: {  	s7 =	sld [smem:$0x3FB3]  }
0x2d: {  	s3 =	simm.s32 $0x108;
	s8 =	sld [smem:$0x3FB4]  }
0x2e: {  	s3 =	simm.s32 @!p0 $0x1082;
	s9 =	sld [smem:$0x3FB5]  }
0x2f: {  	lr =	sadd.s32 s0, s3;
	s0 =	sld [smem:$0x3FAC]  }
0x30: {  	s3 =	sld [smem:$0x3FAF]  }
0x31: {  	[smem:$0x3FB8] =	sst s10  }
0x32: {  	s10 =	sld [smem:$0x3FB6];
	_ =	sdelay $0x3  }
0x33: {  	p0 =	seq.s32 s10, $0x1;
	s10 =	sld [smem:$0x3FB8];
	_ =	sdelay $0x3  }
0x34: {  	[smem:$0x3FB8] =	sst s10  }
0x35: {  	s10 =	sld [smem:$0x3FB7];
	_ =	sdelay $0x3  }
0x36: {  	p1 =	seq.s32 s10, $0x1;
	s10 =	sld [smem:$0x3FB8];
	_ =	sdelay $0x3  }
0x37: {  	[smem:$0x3FB8] =	sst s10  }
0x38: {  	s10 =	sld [smem:$0x3FB9]  }
0x39: {  	_ = 	snop;
	(pc) =	sbr.ind lr, $3  }
0x3a: {  	_ = 	snop  }
0x3b: {  	_ = 	snop  }
0x3c: {  	p2 =	seq.s32 s10, $0x1;
	s10 =	sld [smem:$0x3FB8]  }
0x3d: {  	_ =	shalt  }
0x3e: {  	_ =	shalt  }
0x3f: {  	_ =	shalt  }
0x40: {  	_ =	shalt  }
0x41: {  	_ =	shalt  }
0x42: {  	_ =	shalt  }
0x43: {  	_ =	shalt  }
0x44: {  	_ =	shalt  }
0x45: {  	_ =	shalt  }
0x46: {  	_ =	shalt  }
0x47: {  	_ =	shalt  }
0x48: {  	_ =	shalt  }
0x49: {  	_ =	shalt  }
0x4a: {  	_ =	shalt  }
0x4b: {  	_ =	shalt  }
0x4c: {  	_ =	shalt  }
0x4d: {  	_ =	shalt  }
0x4e: {  	_ =	shalt  }
0x4f: {  	_ =	shalt  }
0x50: {  	_ =	shalt  }
0x51: {  	_ =	shalt  }
0x52: {  	_ =	shalt  }
0x53: {  	_ =	shalt  }
0x54: {  	_ =	shalt  }
0x55: {  	_ =	shalt  }
0x56: {  	_ =	shalt  }
0x57: {  	_ =	shalt  }
0x58: {  	_ =	shalt  }
0x59: {  	_ =	shalt  }
0x5a: {  	_ =	shalt  }
0x5b: {  	_ =	shalt  }
0x5c: {  	_ =	shalt  }
0x5d: {  	_ =	shalt  }
0x5e: {  	_ =	shalt  }
0x5f: {  	_ =	shalt  }
0x60: {  	_ =	shalt  }
0x61: {  	_ =	shalt  }
0x62: {  	_ =	shalt  }
0x63: {  	_ =	shalt  }
0x64: {  	_ =	shalt  }
0x65: {  	_ =	shalt  }
0x66: {  	_ =	shalt  }
0x67: {  	_ =	shalt  }
0x68: {  	_ =	shalt  }
0x69: {  	_ =	shalt  }
0x6a: {  	_ =	shalt  }
0x6b: {  	_ =	shalt  }
0x6c: {  	_ =	shalt  }
0x6d: {  	_ =	shalt  }
0x6e: {  	_ =	shalt  }
0x6f: {  	_ =	shalt  }
0x70: {  	_ =	shalt  }
0x71: {  	_ =	shalt  }
0x72: {  	_ =	shalt  }
0x73: {  	_ =	shalt  }
0x74: {  	_ =	shalt  }
0x75: {  	_ =	shalt  }
0x76: {  	_ =	shalt  }
0x77: {  	_ =	shalt  }
0x78: {  	_ =	shalt  }
0x79: {  	_ =	shalt  }
0x7a: {  	_ =	shalt  }
0x7b: {  	_ =	shalt  }
0x7c: {  	_ =	shalt  }
0x7d: {  	_ =	shalt  }
0x7e: {  	_ =	shalt  }
0x7f: {  	_ =	shalt  }
0x80: {  	_ =	shalt  }
0x81: {  	_ =	shalt  }
0x82: {  	_ =	shalt  }
0x83: {  	_ =	shalt  }
0x84: {  	_ =	shalt  }
0x85: {  	_ =	shalt  }
0x86: {  	_ =	shalt  }
0x87: {  	_ =	shalt  }
.Lfunc_end0:
.L_simem_size_0:
called_computation_lowered:
.L_overlay_start_0:
0x88: {  	s2 =	sld [smem:$0x3FD9]  }
0x89: {  	s3 =	sld [smem:$0x3FFE];
	_ =	sdelay $0x1  }
0x8a: {  	s1 =	srdreg.scid  }
0x8b: {  	s0 =	sand.u32 $0x1, s1  }
0x8c: {  	s14 =	sshll.u32 s0, $0xA;
	s2 =	sadd.s32 s3, s2  }
0x8d: {  	s2 =	sadd.s32 s2, s14  }
0x8e: {  	[smem:$0x3FC4] =	sst s2  }
0x8f: {  	_ = 	snop  }
0x90: {  	s2 =	sld [smem:$0x3FD0];
	_ =	sdelay $0x2  }
0x91: {  	s15 =	simm.s32 $0xA;
	s4 =	simm.s32 $0x10  }
0x92: {  	[smem:s4], [sflag:s15] =	dma.local [hbm:s2], $0x1  }
0x93: {  	_ =	swait.eq [sflag:s15], $0x1  }
0x94: {  	[sflag:s15] =	ssyncset.done $0x0  }
0x95: {  	[sflag:s15] =	ssyncadd.s32 $0xFFFFFFFF  }
0x96: {  	s16 =	sld [smem:$0x10];
	(tm) =	ssettm $0x1  }
0x97: {  	s17 =	sld [smem:$0x3FFB];
	_ =	sdelay $0x3  }
0x98: {  	_ =	strace s17  }
0x99: {  	s3 =	sld [smem:$0x3FFC];
	_ =	sdelay $0x3  }
0x9a: {  	_ =	strace s3  }
0x9b: {  	s3 =	sld [smem:$0x3FFD];
	_ =	sdelay $0x3  }
0x9c: {  	_ =	strace s3  }
0x9d: {  	_ =	strace $0x8FFFFFFF  }
0x9e: {  	s18 =	sld [smem:$0x3FDB];
	_ =	sdelay $0x1  }
0x9f: {  	s19 =	simm.s32 $_scs_section_size  }
0xa0: {  	s5 =	simm.s32 $_size__tile_overlayer_lowered;
	s6 =	simm.s32 $_tile_overlayer_lowered  }
0xa1: {  	s22 =	simm.s32 $0x1BFF;
	s21 =	sshll.u32 s6, $0x1;
	s3 =	sadd.s32 s19, s18  }
0xa2: {  	s7 =	simm.s32 $0x0;
	s20 =	sshll.u32 s5, $0x1;
	s5 =	sadd.s32 s21, s3  }
0xa3: {  	[timem:s7], [sflag:s22] =	dma.local [hbm:s5], s20  }
0xa4: {  	_ =	swait.ge [sflag:s22], s20  }
0xa5: {  	s4 =	ssub.s32 $0x0, s20;
	[sflag:s22] =	ssyncset.done $0x0  }
0xa6: {  	[sflag:s22] =	ssyncadd.s32 s4;
	_ =	sdelay $0x1  }
0xa7: {  	s23 =	simm.s32 $0x1B8B  }
0xa8: {  	_ =	swait.ge [sflag:s23], $0x1  }
0xa9: {  	[sflag:s23] =	ssyncset.done $0x0  }
0xaa: {  	s25 =	simm.s32 $0x1B8E;
	s24 =	sld [smem:$0x3FFE];
	[sflag:s23] =	ssyncadd.s32 $0xFFFFFFFF  }
0xab: {  	s26 =	simm.s32 $execute0_lowered;
	[smem:$0x3FD2] =	sst s25  }
0xac: {  	s5 =	sshll.u32 s26, $0x1;
	_ =	strace $0x80000046;
	[dreg:$0x1] =	wrdreg $0xFFFFFFFF  }
0xad: {  	s28 =	simm.s32 $_size_execute0_lowered;
	s3 =	sadd.s32 s3, s5;
	[dreg:$0x0] =	wrdreg $0x0  }
0xae: {  	s5 =	sshll.u32 s28, $0x1;
	[dreg:$0x2] =	wrdreg s3  }
0xaf: {  	[dreg:$0x3] =	wrdreg s5  }
0xb0: {  	[dreg:$0x4] =	wrdreg $0xC0  }
0xb1: {  	_ =	task [dreg:s7], $0x5FFFF  }
0xb2: {  	[dreg:$0x1] =	wrdreg $0xFFFFFFFF  }
0xb3: {  	[dreg:$0x0] =	wrdreg $0x60  }
0xb4: {  	[dreg:$0x2] =	wrdreg s16  }
0xb5: {  	[dreg:$0x3] =	wrdreg s24  }
0xb6: {  	[dreg:$0x4] =	wrdreg $0x9  }
0xb7: {  	_ =	task.clear_ibuf [dreg:s7], $0x5FFFF;
	_ =	strace $0x90000046  }
0xb8: {  	s29 =	simm.s32 $0x9;
	_ =	strace $0x80000048  }
0xb9: {  	_ =	swait.ge [sflag:s29], $0x1  }
0xba: {  	[sflag:s29] =	ssyncadd.s32 $0xFFFFFFFF  }
0xbb: {  	_ =	strace $0x90000048  }
0xbc: {  	_ =	sfence  }
0xbd: {  	s30 =	sld [smem:$0x0];
	_ =	sdelay $0x2  }
0xbe: {  	s31 =	sshll.u32 s1, $0xD;
	s1 =	sshrl.u32 s1, $0x2  }
0xbf: {  	s3 =	sand.u32 $0x4000, s31;
	s1 =	sadd.s32 s1, s30  }
0xc0: {  	s0 =	sor.u32 s3, s0;
	s1 =	sshll.u32 s1, $0x11  }
0xc1: {  	s0 =	sor.u32 s1, s0  }
0xc2: {  	s0 =	sadd.s32 $0x8F2B, s0  }
0xc3: {  	[sflag:s0] =	ssyncadd.remote.s32 $0x1  }
0xc4: {  	_ =	sfence.sel $0xFFFF  }
0xc5: {  	[dreg:$0x0] =	wrdreg $0xFFFFFFFF;
	(pc) =	sbr.abs _section_cstart, $3  }
0xc6: {  	[dreg:$0x1] =	wrdreg $0xFFFFFFFF  }
0xc7: {  	_ =	task.clear_ibuf [dreg:s7], $0x2FFFF;
	_ =	strace $0x9FFFFFFF  }
0xc8: {  	(tm) =	ssettm $0x7FFFFFFF  }
0xc9: {  	_ =	shalt  }
tec
execute0_lowered:
.L_overlay_start_1:
0x0: {  	(tag) =	ssettag $0x1  }
0x1: {  	s0 =	rddreg [dreg:$0x0]  }
0x2: {  	s1 =	rddreg [dreg:$0x1]  }
0x3: {  	s2 =	srdreg.scid;
	s4 =	stileid.u32;
	s25 =	simm.s32 $0x10000  }
0x4: {  	s7 =	simm.s32 $0x2;
	s26 =	simm.s32 $0x10080;
	s16 =	simm.s32 $0x1800  }
0x5: {  	s17 =	simm.s32 $0x2000;
	s18 =	simm.s32 $0x2800;
	s19 =	simm.s32 $0x3000  }
0x6: {  	s20 =	simm.s32 $0x3800;
	s21 =	simm.s32 $0x4000;
	s22 =	simm.s32 $0x4800  }
0x7: {  	s28 =	simm.s32 $0x7000;
	s29 =	simm.s32 $0x7800;
	s30 =	simm.s32 $0x8000  }
0x8: {  	s31 =	simm.s32 $0x8800;
	s8 =	simm.s32 $0xA800;
	s9 =	simm.s32 $0xB000  }
0x9: {  	s10 =	simm.s32 $0xB800;
	s11 =	simm.s32 $0xC000;
	s12 =	simm.s32 $0xC800  }
0xa: {  	s13 =	simm.s32 $0xD000;
	s3 =	sand.u32 $0x1, s2;
	s2 =	simm.s32 $0x0  }
0xb: {  	s4 =	sshll.u32 s4, $0x8;
	s5 =	sshll.u32 s3, $0x7;
	[smem:$0x7FF] =	sst s2  }
0xc: {  	s3 =	ssub.s32 $0x2, s3;
	_ =	strace $0x80000047;
	[dreg:$0x5] =	wrdreg s25  }
0xd: {  	s4 =	sor.u32 s5, s4;
	s23 =	sshrl.u32 s3, $0x1;
	[dreg:$0x6] =	wrdreg s26  }
0xe: {  	s25 =	simm.s32 $0x6000;
	s26 =	simm.s32 $0x6800;
	s5 =	sshll.u32 s4, $0x6  }
0xf: {  	s4 =	sshrl.u32 s4, $0x3;
	s3 =	ssub.s32 s3, s23;
	s23 =	simm.s32 $0x5000  }
0x10: {  	s0 =	sadd.s32 s0, s5;
	s4 =	sadd.s32 s1, s4;
	s5 =	sadd.s32 $0x500, s1  }
0x11: {  	v2 =	vlaneseq.u32;
	s6 =	smax.u32 s3, $0x1;
	s3 =	simm.s32 $0xA000;
	[dreg:$0x3] =	wrdreg s0  }
0x12: {  	vm0 =	vmmov $0xffff;
	v1 =	vshrl.u32 v2, $0x3;
	[dreg:$0x7] =	wrdreg s4;
	s24 =	sadd.s32 $0x200, s4;
	s4 =	sadd.s32 $0x400, s1  }
0x13: {  	v0 =	vand.u32 $0x7, v2;
	v2 =	vor.u32 $0x8, v2;
	v1 =	vmul.u32 $0x8, v1;
	s1 =	simm.s32 $0x9800;
	[dreg:$0x4] =	wrdreg s24;
	s24 =	simm.s32 $0x5800  }
.LBB2_1:
0x14: {  	s14 =	rddreg [dreg:$0x3]  }
0x15: {  	[tilespmem:s2], [sflag:$0x2] =	stream.linear.gather [hbm4b:s14+s2], $0x10000, $0x38;
	[tilespmem:$0x10100] =	vst v63  }
0x16: {  	_ =	swait.ge [sflag:s7], $0x10000  }
0x17: {  	s0 =	rddreg [dreg:$0x4];
	[sflag:s7] =	ssyncset.done $0x0  }
0x18: {  	s15 =	rddreg [dreg:$0x5];
	[sflag:s7] =	ssyncadd.s32 $0xFFFF0000  }
0x19: {  	[tilespmem:s15], [sflag:$0x2] =	stream.linear.gather [hbm4b:s0+s2], $0x80, $0x38;
	[tilespmem:$0x10100] =	vst v63  }
0x1a: {  	_ =	swait.ge [sflag:s7], $0x80  }
0x1b: {  	s15 =	rddreg [dreg:$0x6];
	[sflag:s7] =	ssyncset.done $0x0  }
0x1c: {  	s0 =	rddreg [dreg:$0x7];
	[sflag:s7] =	ssyncadd.s32 $0xFFFFFF80  }
0x1d: {  	[tilespmem:s15], [sflag:$0x2] =	stream.linear.gather [hbm4b:s0+s2], $0x80, $0x38;
	[tilespmem:$0x10100] =	vst v63  }
0x1e: {  	_ =	swait.ge [sflag:s7], $0x80  }
0x1f: {  	[sflag:s7] =	ssyncset.done $0x0  }
0x20: {  	[sflag:s7] =	ssyncadd.s32 $0xFFFFFF80  }
0x21: {  	v3 =	vld [tilespmem:$0x10000];
	_ =	sdelay $0x4  }
0x22: {  	v4 =	vshll.u32 v3, $0x2  }
0x23: {  	v3 =	vand.u32 $0x7, v3;
	v4 =	vand.u32 $0xFFFFFFE0, v4  }
0x24: {  	v3 =	vor.u32 v3, v4  }
0x25: {  	v4 =	vperm.xlane v3, v0;
	_ =	sdelay $0x1  }
0x26: {  	v4 =	vadd.s32 v1, v4;
	_ =	sdelay $0x1  }
0x27: {  	v3 =	vperm.xlane v3, v2;
	_ =	sdelay $0x1  }
0x28: {  	v3 =	vadd.s32 v1, v3  }
0x29: {  	[hbm4b:s4+s2] =	stream.indirect_vreg.scatter [tilespmem:s2], [sflag:$0x1], $0x80, v4, vm0, $0xb8;
	[tilespmem:$0x10100] =	vst v63  }
0x2a: {  	s14 =	simm.s32 $0x800  }
0x2b: {  	[hbm4b:s5+s2] =	stream.indirect_vreg.scatter [tilespmem:s14], [sflag:$0x1], $0x80, v4, vm0, $0xb8;
	[tilespmem:$0x10100] =	vst v63  }
0x2c: {  	s15 =	simm.s32 $0x1000  }
0x2d: {  	[hbm4b:s4+s2] =	stream.indirect_vreg.scatter [tilespmem:s15], [sflag:$0x1], $0x80, v3, vm0, $0xb8;
	[tilespmem:$0x10100] =	vst v63  }
0x2e: {  	_ = 	snop  }
0x2f: {  	[hbm4b:s5+s2] =	stream.indirect_vreg.scatter [tilespmem:s16], [sflag:$0x1], $0x80, v3, vm0, $0xb8;
	[tilespmem:$0x10100] =	vst v63  }
0x30: {  	v3 =	vld [tilespmem:$0x10010];
	_ =	sdelay $0x4  }
0x31: {  	v49 =	vshll.u32 v3, $0x2  }
0x32: {  	v3 =	vand.u32 $0x7, v3;
	v4 =	vand.u32 $0xFFFFFFE0, v49  }
0x33: {  	v3 =	vor.u32 v3, v4  }
0x34: {  	v4 =	vperm.xlane v3, v0;
	_ =	sdelay $0x1  }
0x35: {  	v4 =	vadd.s32 v1, v4;
	_ =	sdelay $0x1  }
0x36: {  	v3 =	vperm.xlane v3, v2;
	_ =	sdelay $0x1  }
0x37: {  	v3 =	vadd.s32 v1, v3  }
0x38: {  	[hbm4b:s4+s2] =	stream.indirect_vreg.scatter [tilespmem:s17], [sflag:$0x1], $0x80, v4, vm0, $0xb8;
	[tilespmem:$0x10100] =	vst v63  }
0x39: {  	_ = 	snop  }
0x3a: {  	[hbm4b:s5+s2] =	stream.indirect_vreg.scatter [tilespmem:s18], [sflag:$0x1], $0x80, v4, vm0, $0xb8;
	[tilespmem:$0x10100] =	vst v63  }
0x3b: {  	_ = 	snop  }
0x3c: {  	[hbm4b:s4+s2] =	stream.indirect_vreg.scatter [tilespmem:s19], [sflag:$0x1], $0x80, v3, vm0, $0xb8;
	[tilespmem:$0x10100] =	vst v63  }
0x3d: {  	_ = 	snop  }
0x3e: {  	[hbm4b:s5+s2] =	stream.indirect_vreg.scatter [tilespmem:s20], [sflag:$0x1], $0x80, v3, vm0, $0xb8;
	[tilespmem:$0x10100] =	vst v63  }
0x3f: {  	v3 =	vld [tilespmem:$0x10020];
	_ =	sdelay $0x4  }
0x40: {  	v50 =	vshll.u32 v3, $0x2  }
0x41: {  	v3 =	vand.u32 $0x7, v3;
	v4 =	vand.u32 $0xFFFFFFE0, v50  }
0x42: {  	v3 =	vor.u32 v3, v4  }
0x43: {  	v4 =	vperm.xlane v3, v0;
	_ =	sdelay $0x1  }
0x44: {  	v4 =	vadd.s32 v1, v4;
	_ =	sdelay $0x1  }
0x45: {  	v3 =	vperm.xlane v3, v2;
	_ =	sdelay $0x1  }
0x46: {  	v3 =	vadd.s32 v1, v3  }
0x47: {  	[hbm4b:s4+s2] =	stream.indirect_vreg.scatter [tilespmem:s21], [sflag:$0x1], $0x80, v4, vm0, $0xb8;
	[tilespmem:$0x10100] =	vst v63  }
0x48: {  	_ = 	snop  }
0x49: {  	[hbm4b:s5+s2] =	stream.indirect_vreg.scatter [tilespmem:s22], [sflag:$0x1], $0x80, v4, vm0, $0xb8;
	[tilespmem:$0x10100] =	vst v63  }
0x4a: {  	_ = 	snop  }
0x4b: {  	[hbm4b:s4+s2] =	stream.indirect_vreg.scatter [tilespmem:s23], [sflag:$0x1], $0x80, v3, vm0, $0xb8;
	[tilespmem:$0x10100] =	vst v63  }
0x4c: {  	_ = 	snop  }
0x4d: {  	[hbm4b:s5+s2] =	stream.indirect_vreg.scatter [tilespmem:s24], [sflag:$0x1], $0x80, v3, vm0, $0xb8;
	[tilespmem:$0x10100] =	vst v63  }
0x4e: {  	v3 =	vld [tilespmem:$0x10030];
	_ =	sdelay $0x4  }
0x4f: {  	v51 =	vshll.u32 v3, $0x2  }
0x50: {  	v3 =	vand.u32 $0x7, v3;
	v4 =	vand.u32 $0xFFFFFFE0, v51  }
0x51: {  	v3 =	vor.u32 v3, v4  }
0x52: {  	v4 =	vperm.xlane v3, v0;
	_ =	sdelay $0x1  }
0x53: {  	v4 =	vadd.s32 v1, v4;
	_ =	sdelay $0x1  }
0x54: {  	v3 =	vperm.xlane v3, v2;
	_ =	sdelay $0x1  }
0x55: {  	v3 =	vadd.s32 v1, v3  }
0x56: {  	[hbm4b:s4+s2] =	stream.indirect_vreg.scatter [tilespmem:s25], [sflag:$0x1], $0x80, v4, vm0, $0xb8;
	[tilespmem:$0x10100] =	vst v63  }
0x57: {  	_ = 	snop  }
0x58: {  	[hbm4b:s5+s2] =	stream.indirect_vreg.scatter [tilespmem:s26], [sflag:$0x1], $0x80, v4, vm0, $0xb8;
	[tilespmem:$0x10100] =	vst v63  }
0x59: {  	_ = 	snop  }
0x5a: {  	[hbm4b:s4+s2] =	stream.indirect_vreg.scatter [tilespmem:s28], [sflag:$0x1], $0x80, v3, vm0, $0xb8;
	[tilespmem:$0x10100] =	vst v63  }
0x5b: {  	_ = 	snop  }
0x5c: {  	[hbm4b:s5+s2] =	stream.indirect_vreg.scatter [tilespmem:s29], [sflag:$0x1], $0x80, v3, vm0, $0xb8;
	[tilespmem:$0x10100] =	vst v63  }
0x5d: {  	v3 =	vld [tilespmem:$0x10040];
	_ =	sdelay $0x4  }
0x5e: {  	v52 =	vshll.u32 v3, $0x2  }
0x5f: {  	v3 =	vand.u32 $0x7, v3;
	v4 =	vand.u32 $0xFFFFFFE0, v52  }
0x60: {  	v3 =	vor.u32 v3, v4  }
0x61: {  	v4 =	vperm.xlane v3, v0;
	_ =	sdelay $0x1  }
0x62: {  	v4 =	vadd.s32 v1, v4;
	_ =	sdelay $0x1  }
0x63: {  	v3 =	vperm.xlane v3, v2;
	_ =	sdelay $0x1  }
0x64: {  	v3 =	vadd.s32 v1, v3  }
0x65: {  	[hbm4b:s4+s2] =	stream.indirect_vreg.scatter [tilespmem:s30], [sflag:$0x1], $0x80, v4, vm0, $0xb8;
	[tilespmem:$0x10100] =	vst v63  }
0x66: {  	_ = 	snop  }
0x67: {  	[hbm4b:s5+s2] =	stream.indirect_vreg.scatter [tilespmem:s31], [sflag:$0x1], $0x80, v4, vm0, $0xb8;
	[tilespmem:$0x10100] =	vst v63  }
0x68: {  	s0 =	simm.s32 $0x9000  }
0x69: {  	[hbm4b:s4+s2] =	stream.indirect_vreg.scatter [tilespmem:s0], [sflag:$0x1], $0x80, v3, vm0, $0xb8;
	[tilespmem:$0x10100] =	vst v63  }
0x6a: {  	_ = 	snop  }
0x6b: {  	[hbm4b:s5+s2] =	stream.indirect_vreg.scatter [tilespmem:s1], [sflag:$0x1], $0x80, v3, vm0, $0xb8;
	[tilespmem:$0x10100] =	vst v63  }
0x6c: {  	v3 =	vld [tilespmem:$0x10050];
	_ =	sdelay $0x4  }
0x6d: {  	v53 =	vshll.u32 v3, $0x2  }
0x6e: {  	v3 =	vand.u32 $0x7, v3;
	v4 =	vand.u32 $0xFFFFFFE0, v53  }
0x6f: {  	v3 =	vor.u32 v3, v4  }
0x70: {  	v4 =	vperm.xlane v3, v0;
	_ =	sdelay $0x1  }
0x71: {  	v4 =	vadd.s32 v1, v4;
	_ =	sdelay $0x1  }
0x72: {  	v3 =	vperm.xlane v3, v2;
	_ =	sdelay $0x1  }
0x73: {  	v3 =	vadd.s32 v1, v3  }
0x74: {  	[hbm4b:s4+s2] =	stream.indirect_vreg.scatter [tilespmem:s3], [sflag:$0x1], $0x80, v4, vm0, $0xb8;
	[tilespmem:$0x10100] =	vst v63  }
0x75: {  	_ = 	snop  }
0x76: {  	[hbm4b:s5+s2] =	stream.indirect_vreg.scatter [tilespmem:s8], [sflag:$0x1], $0x80, v4, vm0, $0xb8;
	[tilespmem:$0x10100] =	vst v63  }
0x77: {  	_ = 	snop  }
0x78: {  	[hbm4b:s4+s2] =	stream.indirect_vreg.scatter [tilespmem:s9], [sflag:$0x1], $0x80, v3, vm0, $0xb8;
	[tilespmem:$0x10100] =	vst v63  }
0x79: {  	_ = 	snop  }
0x7a: {  	[hbm4b:s5+s2] =	stream.indirect_vreg.scatter [tilespmem:s10], [sflag:$0x1], $0x80, v3, vm0, $0xb8;
	[tilespmem:$0x10100] =	vst v63  }
0x7b: {  	v3 =	vld [tilespmem:$0x10060];
	_ =	sdelay $0x4  }
0x7c: {  	v54 =	vshll.u32 v3, $0x2  }
0x7d: {  	v3 =	vand.u32 $0x7, v3;
	v4 =	vand.u32 $0xFFFFFFE0, v54  }
0x7e: {  	v3 =	vor.u32 v3, v4  }
0x7f: {  	v4 =	vperm.xlane v3, v0;
	_ =	sdelay $0x1  }
0x80: {  	v4 =	vadd.s32 v1, v4;
	_ =	sdelay $0x1  }
0x81: {  	v3 =	vperm.xlane v3, v2;
	_ =	sdelay $0x1  }
0x82: {  	v3 =	vadd.s32 v1, v3  }
0x83: {  	[hbm4b:s4+s2] =	stream.indirect_vreg.scatter [tilespmem:s11], [sflag:$0x1], $0x80, v4, vm0, $0xb8;
	[tilespmem:$0x10100] =	vst v63  }
0x84: {  	_ = 	snop  }
0x85: {  	[hbm4b:s5+s2] =	stream.indirect_vreg.scatter [tilespmem:s12], [sflag:$0x1], $0x80, v4, vm0, $0xb8;
	[tilespmem:$0x10100] =	vst v63  }
0x86: {  	_ = 	snop  }
0x87: {  	[hbm4b:s4+s2] =	stream.indirect_vreg.scatter [tilespmem:s13], [sflag:$0x1], $0x80, v3, vm0, $0xb8;
	[tilespmem:$0x10100] =	vst v63  }
0x88: {  	s0 =	simm.s32 $0xD800  }
0x89: {  	[hbm4b:s5+s2] =	stream.indirect_vreg.scatter [tilespmem:s0], [sflag:$0x1], $0x80, v3, vm0, $0xb8;
	[tilespmem:$0x10100] =	vst v63  }
0x8a: {  	v3 =	vld [tilespmem:$0x10070];
	_ =	sdelay $0x4  }
0x8b: {  	v55 =	vshll.u32 v3, $0x2  }
0x8c: {  	v3 =	vand.u32 $0x7, v3;
	v4 =	vand.u32 $0xFFFFFFE0, v55  }
0x8d: {  	v3 =	vor.u32 v3, v4  }
0x8e: {  	v4 =	vperm.xlane v3, v0;
	_ =	sdelay $0x1  }
0x8f: {  	v4 =	vadd.s32 v1, v4;
	_ =	sdelay $0x1  }
0x90: {  	v3 =	vperm.xlane v3, v2;
	_ =	sdelay $0x1  }
0x91: {  	s0 =	simm.s32 $0xE000;
	v3 =	vadd.s32 v1, v3  }
0x92: {  	[hbm4b:s4+s2] =	stream.indirect_vreg.scatter [tilespmem:s0], [sflag:$0x1], $0x80, v4, vm0, $0xb8;
	[tilespmem:$0x10100] =	vst v63  }
0x93: {  	s0 =	simm.s32 $0xE800  }
0x94: {  	[hbm4b:s5+s2] =	stream.indirect_vreg.scatter [tilespmem:s0], [sflag:$0x1], $0x80, v4, vm0, $0xb8;
	[tilespmem:$0x10100] =	vst v63  }
0x95: {  	s0 =	simm.s32 $0xF000  }
0x96: {  	[hbm4b:s4+s2] =	stream.indirect_vreg.scatter [tilespmem:s0], [sflag:$0x1], $0x80, v3, vm0, $0xb8;
	[tilespmem:$0x10100] =	vst v63  }
0x97: {  	s0 =	simm.s32 $0xF800  }
0x98: {  	[hbm4b:s5+s2] =	stream.indirect_vreg.scatter [tilespmem:s0], [sflag:$0x1], $0x80, v3, vm0, $0xb8;
	[tilespmem:$0x10100] =	vst v63  }
0x99: {  	v3 =	vld [tilespmem:$0x10080];
	_ =	sdelay $0x4  }
0x9a: {  	v56 =	vshll.u32 v3, $0x2  }
0x9b: {  	v3 =	vand.u32 $0x7, v3;
	v4 =	vand.u32 $0xFFFFFFE0, v56  }
0x9c: {  	v3 =	vor.u32 v3, v4  }
0x9d: {  	v4 =	vperm.xlane v3, v0;
	_ =	sdelay $0x1  }
0x9e: {  	v4 =	vadd.s32 v1, v4;
	_ =	sdelay $0x1  }
0x9f: {  	v3 =	vperm.xlane v3, v2;
	_ =	sdelay $0x1  }
0xa0: {  	v3 =	vadd.s32 v1, v3  }
0xa1: {  	[hbm4b:s4+s2] =	stream.indirect_vreg.scatter [tilespmem:s2], [sflag:$0x1], $0x80, v4, vm0, $0xb8;
	[tilespmem:$0x10100] =	vst v63  }
0xa2: {  	_ = 	snop  }
0xa3: {  	[hbm4b:s5+s2] =	stream.indirect_vreg.scatter [tilespmem:s14], [sflag:$0x1], $0x80, v4, vm0, $0xb8;
	[tilespmem:$0x10100] =	vst v63  }
0xa4: {  	_ = 	snop  }
0xa5: {  	[hbm4b:s4+s2] =	stream.indirect_vreg.scatter [tilespmem:s15], [sflag:$0x1], $0x80, v3, vm0, $0xb8;
	[tilespmem:$0x10100] =	vst v63  }
0xa6: {  	_ = 	snop  }
0xa7: {  	[hbm4b:s5+s2] =	stream.indirect_vreg.scatter [tilespmem:s16], [sflag:$0x1], $0x80, v3, vm0, $0xb8;
	[tilespmem:$0x10100] =	vst v63  }
0xa8: {  	v3 =	vld [tilespmem:$0x10090];
	_ =	sdelay $0x4  }
0xa9: {  	v57 =	vshll.u32 v3, $0x2  }
0xaa: {  	v3 =	vand.u32 $0x7, v3;
	v4 =	vand.u32 $0xFFFFFFE0, v57  }
0xab: {  	v3 =	vor.u32 v3, v4  }
0xac: {  	v4 =	vperm.xlane v3, v0;
	_ =	sdelay $0x1  }
0xad: {  	v4 =	vadd.s32 v1, v4;
	_ =	sdelay $0x1  }
0xae: {  	v3 =	vperm.xlane v3, v2;
	_ =	sdelay $0x1  }
0xaf: {  	v3 =	vadd.s32 v1, v3  }
0xb0: {  	[hbm4b:s4+s2] =	stream.indirect_vreg.scatter [tilespmem:s17], [sflag:$0x1], $0x80, v4, vm0, $0xb8;
	[tilespmem:$0x10100] =	vst v63  }
0xb1: {  	_ = 	snop  }
0xb2: {  	[hbm4b:s5+s2] =	stream.indirect_vreg.scatter [tilespmem:s18], [sflag:$0x1], $0x80, v4, vm0, $0xb8;
	[tilespmem:$0x10100] =	vst v63  }
0xb3: {  	_ = 	snop  }
0xb4: {  	[hbm4b:s4+s2] =	stream.indirect_vreg.scatter [tilespmem:s19], [sflag:$0x1], $0x80, v3, vm0, $0xb8;
	[tilespmem:$0x10100] =	vst v63  }
0xb5: {  	_ = 	snop  }
0xb6: {  	[hbm4b:s5+s2] =	stream.indirect_vreg.scatter [tilespmem:s20], [sflag:$0x1], $0x80, v3, vm0, $0xb8;
	[tilespmem:$0x10100] =	vst v63  }
0xb7: {  	v3 =	vld [tilespmem:$0x100A0];
	_ =	sdelay $0x4  }
0xb8: {  	v58 =	vshll.u32 v3, $0x2  }
0xb9: {  	v3 =	vand.u32 $0x7, v3;
	v4 =	vand.u32 $0xFFFFFFE0, v58  }
0xba: {  	v3 =	vor.u32 v3, v4  }
0xbb: {  	v4 =	vperm.xlane v3, v0;
	_ =	sdelay $0x1  }
0xbc: {  	v4 =	vadd.s32 v1, v4;
	_ =	sdelay $0x1  }
0xbd: {  	v3 =	vperm.xlane v3, v2;
	_ =	sdelay $0x1  }
0xbe: {  	v3 =	vadd.s32 v1, v3  }
0xbf: {  	[hbm4b:s4+s2] =	stream.indirect_vreg.scatter [tilespmem:s21], [sflag:$0x1], $0x80, v4, vm0, $0xb8;
	[tilespmem:$0x10100] =	vst v63  }
0xc0: {  	_ = 	snop  }
0xc1: {  	[hbm4b:s5+s2] =	stream.indirect_vreg.scatter [tilespmem:s22], [sflag:$0x1], $0x80, v4, vm0, $0xb8;
	[tilespmem:$0x10100] =	vst v63  }
0xc2: {  	_ = 	snop  }
0xc3: {  	[hbm4b:s4+s2] =	stream.indirect_vreg.scatter [tilespmem:s23], [sflag:$0x1], $0x80, v3, vm0, $0xb8;
	[tilespmem:$0x10100] =	vst v63  }
0xc4: {  	_ = 	snop  }
0xc5: {  	[hbm4b:s5+s2] =	stream.indirect_vreg.scatter [tilespmem:s24], [sflag:$0x1], $0x80, v3, vm0, $0xb8;
	[tilespmem:$0x10100] =	vst v63  }
0xc6: {  	v3 =	vld [tilespmem:$0x100B0];
	_ =	sdelay $0x4  }
0xc7: {  	v59 =	vshll.u32 v3, $0x2  }
0xc8: {  	v3 =	vand.u32 $0x7, v3;
	v4 =	vand.u32 $0xFFFFFFE0, v59  }
0xc9: {  	v3 =	vor.u32 v3, v4  }
0xca: {  	v4 =	vperm.xlane v3, v0;
	_ =	sdelay $0x1  }
0xcb: {  	v4 =	vadd.s32 v1, v4;
	_ =	sdelay $0x1  }
0xcc: {  	v3 =	vperm.xlane v3, v2;
	_ =	sdelay $0x1  }
0xcd: {  	v3 =	vadd.s32 v1, v3  }
0xce: {  	[hbm4b:s4+s2] =	stream.indirect_vreg.scatter [tilespmem:s25], [sflag:$0x1], $0x80, v4, vm0, $0xb8;
	[tilespmem:$0x10100] =	vst v63  }
0xcf: {  	_ = 	snop  }
0xd0: {  	[hbm4b:s5+s2] =	stream.indirect_vreg.scatter [tilespmem:s26], [sflag:$0x1], $0x80, v4, vm0, $0xb8;
	[tilespmem:$0x10100] =	vst v63  }
0xd1: {  	_ = 	snop  }
0xd2: {  	[hbm4b:s4+s2] =	stream.indirect_vreg.scatter [tilespmem:s28], [sflag:$0x1], $0x80, v3, vm0, $0xb8;
	[tilespmem:$0x10100] =	vst v63  }
0xd3: {  	_ = 	snop  }
0xd4: {  	[hbm4b:s5+s2] =	stream.indirect_vreg.scatter [tilespmem:s29], [sflag:$0x1], $0x80, v3, vm0, $0xb8;
	[tilespmem:$0x10100] =	vst v63  }
0xd5: {  	v3 =	vld [tilespmem:$0x100C0];
	_ =	sdelay $0x4  }
0xd6: {  	v60 =	vshll.u32 v3, $0x2  }
0xd7: {  	v3 =	vand.u32 $0x7, v3;
	v4 =	vand.u32 $0xFFFFFFE0, v60  }
0xd8: {  	v3 =	vor.u32 v3, v4  }
0xd9: {  	v4 =	vperm.xlane v3, v0;
	_ =	sdelay $0x1  }
0xda: {  	v4 =	vadd.s32 v1, v4;
	_ =	sdelay $0x1  }
0xdb: {  	v3 =	vperm.xlane v3, v2;
	_ =	sdelay $0x1  }
0xdc: {  	v3 =	vadd.s32 v1, v3  }
0xdd: {  	[hbm4b:s4+s2] =	stream.indirect_vreg.scatter [tilespmem:s30], [sflag:$0x1], $0x80, v4, vm0, $0xb8;
	[tilespmem:$0x10100] =	vst v63  }
0xde: {  	_ = 	snop  }
0xdf: {  	[hbm4b:s5+s2] =	stream.indirect_vreg.scatter [tilespmem:s31], [sflag:$0x1], $0x80, v4, vm0, $0xb8;
	[tilespmem:$0x10100] =	vst v63  }
0xe0: {  	s15 =	simm.s32 $0x9000  }
0xe1: {  	[hbm4b:s4+s2] =	stream.indirect_vreg.scatter [tilespmem:s15], [sflag:$0x1], $0x80, v3, vm0, $0xb8;
	[tilespmem:$0x10100] =	vst v63  }
0xe2: {  	_ = 	snop  }
0xe3: {  	[hbm4b:s5+s2] =	stream.indirect_vreg.scatter [tilespmem:s1], [sflag:$0x1], $0x80, v3, vm0, $0xb8;
	[tilespmem:$0x10100] =	vst v63  }
0xe4: {  	v3 =	vld [tilespmem:$0x100D0];
	_ =	sdelay $0x4  }
0xe5: {  	v61 =	vshll.u32 v3, $0x2  }
0xe6: {  	v3 =	vand.u32 $0x7, v3;
	v4 =	vand.u32 $0xFFFFFFE0, v61  }
0xe7: {  	v3 =	vor.u32 v3, v4  }
0xe8: {  	v4 =	vperm.xlane v3, v0;
	_ =	sdelay $0x1  }
0xe9: {  	v4 =	vadd.s32 v1, v4;
	_ =	sdelay $0x1  }
0xea: {  	v3 =	vperm.xlane v3, v2;
	_ =	sdelay $0x1  }
0xeb: {  	v3 =	vadd.s32 v1, v3  }
0xec: {  	[hbm4b:s4+s2] =	stream.indirect_vreg.scatter [tilespmem:s3], [sflag:$0x1], $0x80, v4, vm0, $0xb8;
	[tilespmem:$0x10100] =	vst v63  }
0xed: {  	_ = 	snop  }
0xee: {  	[hbm4b:s5+s2] =	stream.indirect_vreg.scatter [tilespmem:s8], [sflag:$0x1], $0x80, v4, vm0, $0xb8;
	[tilespmem:$0x10100] =	vst v63  }
0xef: {  	_ = 	snop  }
0xf0: {  	[hbm4b:s4+s2] =	stream.indirect_vreg.scatter [tilespmem:s9], [sflag:$0x1], $0x80, v3, vm0, $0xb8;
	[tilespmem:$0x10100] =	vst v63  }
0xf1: {  	_ = 	snop  }
0xf2: {  	[hbm4b:s5+s2] =	stream.indirect_vreg.scatter [tilespmem:s10], [sflag:$0x1], $0x80, v3, vm0, $0xb8;
	[tilespmem:$0x10100] =	vst v63  }
0xf3: {  	v3 =	vld [tilespmem:$0x100E0];
	_ =	sdelay $0x4  }
0xf4: {  	v62 =	vshll.u32 v3, $0x2  }
0xf5: {  	v3 =	vand.u32 $0x7, v3;
	v4 =	vand.u32 $0xFFFFFFE0, v62  }
0xf6: {  	v3 =	vor.u32 v3, v4  }
0xf7: {  	v4 =	vperm.xlane v3, v0;
	_ =	sdelay $0x1  }
0xf8: {  	v4 =	vadd.s32 v1, v4;
	_ =	sdelay $0x1  }
0xf9: {  	v3 =	vperm.xlane v3, v2;
	_ =	sdelay $0x1  }
0xfa: {  	v3 =	vadd.s32 v1, v3  }
0xfb: {  	[hbm4b:s4+s2] =	stream.indirect_vreg.scatter [tilespmem:s11], [sflag:$0x1], $0x80, v4, vm0, $0xb8;
	[tilespmem:$0x10100] =	vst v63  }
0xfc: {  	_ = 	snop  }
0xfd: {  	[hbm4b:s5+s2] =	stream.indirect_vreg.scatter [tilespmem:s12], [sflag:$0x1], $0x80, v4, vm0, $0xb8;
	[tilespmem:$0x10100] =	vst v63  }
0xfe: {  	_ = 	snop  }
0xff: {  	[hbm4b:s4+s2] =	stream.indirect_vreg.scatter [tilespmem:s13], [sflag:$0x1], $0x80, v3, vm0, $0xb8;
	[tilespmem:$0x10100] =	vst v63  }
0x100: {  	s14 =	simm.s32 $0xD800  }
0x101: {  	[hbm4b:s5+s2] =	stream.indirect_vreg.scatter [tilespmem:s14], [sflag:$0x1], $0x80, v3, vm0, $0xb8;
	[tilespmem:$0x10100] =	vst v63  }
0x102: {  	v3 =	vld [tilespmem:$0x100F0];
	_ =	sdelay $0x4  }
0x103: {  	v63 =	vshll.u32 v3, $0x2  }
0x104: {  	v3 =	vand.u32 $0x7, v3;
	v4 =	vand.u32 $0xFFFFFFE0, v63  }
0x105: {  	v3 =	vor.u32 v3, v4  }
0x106: {  	v4 =	vperm.xlane v3, v0;
	_ =	sdelay $0x1  }
0x107: {  	v4 =	vadd.s32 v1, v4;
	_ =	sdelay $0x1  }
0x108: {  	v3 =	vperm.xlane v3, v2;
	_ =	sdelay $0x1  }
0x109: {  	s15 =	simm.s32 $0xE000;
	v3 =	vadd.s32 v1, v3  }
0x10a: {  	[hbm4b:s4+s2] =	stream.indirect_vreg.scatter [tilespmem:s15], [sflag:$0x1], $0x80, v4, vm0, $0xb8;
	[tilespmem:$0x10100] =	vst v63  }
0x10b: {  	s14 =	simm.s32 $0xE800  }
0x10c: {  	[hbm4b:s5+s2] =	stream.indirect_vreg.scatter [tilespmem:s14], [sflag:$0x1], $0x80, v4, vm0, $0xb8;
	[tilespmem:$0x10100] =	vst v63  }
0x10d: {  	s15 =	simm.s32 $0xF000  }
0x10e: {  	[hbm4b:s4+s2] =	stream.indirect_vreg.scatter [tilespmem:s15], [sflag:$0x1], $0x80, v3, vm0, $0xb8;
	[tilespmem:$0x10100] =	vst v63  }
0x10f: {  	s14 =	simm.s32 $0xF800;
	s15 =	simm.s32 $0x1  }
0x110: {  	[hbm4b:s5+s2] =	stream.indirect_vreg.scatter [tilespmem:s14], [sflag:$0x1], $0x80, v3, vm0, $0xb8;
	[tilespmem:$0x10100] =	vst v63  }
0x111: {  	p0 =	sne.s32 s6, $0x1;
	_ =	swait.ge [sflag:s15], $0x10000  }
.Ltmp0:
0x112: {  	[sflag:s15] =	ssyncset.done $0x0;
	(pc) =	sbr.rel @p0 .LBB2_1-.Ltmp0, $4  }
0x113: {  	[sflag:s15] =	ssyncadd.s32 $0xFFFF0000  }
0x114: {  	_ =	swait.ge [sflag:s15], $0x10000  }
0x115: {  	[sflag:s15] =	ssyncset.done $0x0  }
0x116: {  	s6 =	sadd.s32 $0xFFFFFFFF, s6;
	[sflag:s15] =	ssyncadd.s32 $0xFFFF0000  }
0x117: {  	_ =	sfence.sel $0x180000  }
0x118: {  	[bflag:$0x0] =	sbarrier.arrive $0xFFFF  }
0x119: {  	_ =	strace $0x90000047  }
0x11a: {  	s0 =	stileid.u32;
	[bflag:$0x2] =	sbarrier.arrive $0xFFFF  }
0x11b: {  	p0 =	sne.s32 s0, $0x0;
	s0 =	rddreg [dreg:$0x2]  }
0x11c: {  	s0 =	sadd.s32 @!p0 $0x100000, s0  }
0x11d: {  	[sflag:s0] =	ssyncadd.tile.s32 @!p0 $0x1;
	_ =	shalt  }
.Lfunc_end2:
_tile_overlayer_lowered:
.L_overlay_start_2:
0x11e: {  	(tag) =	ssettag $0x2  }
0x11f: {  	s0 =	rddreg [dreg:$0x0];
	s2 =	stileid.u32  }
0x120: {  	s1 =	rddreg [dreg:$0x1];
	p0 =	sne.s32 s2, $0x0  }
0x121: {  	s3 =	rddreg [dreg:$0x2];
	[bflag:$0x3] =	sbarrier.arrive $0xFFFF;
	s2 =	simm.s32 @!p0 $0x1C02  }
0x122: {  	[timem:s3], [sflag:s2] =	dma.local @!p0 [hbm:s0], s1  }
0x123: {  	s0 =	simm.s32 @!p0 $0x2  }
0x124: {  	_ =	swait.ge @!p0 [sflag:s0], s1  }
0x125: {  	s1 =	ssub.s32 @!p0 $0x0, s1;
	[sflag:s0] =	ssyncset.done @!p0 $0x0  }
0x126: {  	[sflag:s0] =	ssyncadd.s32 @!p0 s1  }
0x127: {  	[bflag:$0x3] =	sbarrier.arrive $0xFFFF  }
0x128: {  	_ =	shalt  }

</sc_bundles>
